<compile_context>
chip_gen: v7x
topology: tpu7x:2x2x1
jax: 0.10.2.dev20260603
libtpu: 0.0.44.dev20260713+nightly
codegen_flags: <defaults>
</compile_context>

<pallas_src>
import functools

import jax
import jax.numpy as jnp
from jax import lax
from jax.experimental import pallas as pl
from jax.experimental.pallas import tpu as pltpu
from jax.experimental.pallas import tpu_sc as plsc

BATCH = 16384
FIELDS = 26
EMBED = 32
VOCAB = 1000000
N_IDX = BATCH * FIELDS
LANES = 16

CHUNK = 128
NBUF = 8
TC_BN = 65536


def _rowsum_tc(table_t):
    def body(t_ref, o_ref):
        o_ref[...] = jnp.sum(t_ref[...], axis=0)

    return pl.pallas_call(
        body,
        grid=(pl.cdiv(VOCAB, TC_BN),),
        in_specs=[pl.BlockSpec((EMBED, TC_BN), lambda i: (0, i))],
        out_specs=pl.BlockSpec((TC_BN,), lambda i: (i,)),
        out_shape=jax.ShapeDtypeStruct((VOCAB,), jnp.float32),
    )(table_t)


def _make_sc_kernel(nw):
    cols_w = BATCH // nw
    n_chunks = FIELDS * (cols_w // CHUNK)
    k_per_row = cols_w // CHUNK
    mesh = plsc.VectorSubcoreMesh(core_axis_name="c", subcore_axis_name="s")
    nc = mesh.num_cores

    @functools.partial(
        pl.kernel,
        out_type=jax.ShapeDtypeStruct((nw, LANES), jnp.float32),
        mesh=mesh,
        compiler_params=pltpu.CompilerParams(use_tc_tiling_on_sc=True),
        scratch_types=[
            pltpu.VMEM((FIELDS, cols_w), jnp.int32),
            pltpu.VMEM((CHUNK,), jnp.float32),
            pltpu.VMEM((CHUNK,), jnp.float32),
            pltpu.VMEM((CHUNK,), jnp.float32),
            pltpu.VMEM((CHUNK,), jnp.float32),
            pltpu.VMEM((CHUNK,), jnp.float32),
            pltpu.VMEM((CHUNK,), jnp.float32),
            pltpu.VMEM((CHUNK,), jnp.float32),
            pltpu.VMEM((CHUNK,), jnp.float32),
            pltpu.VMEM((LANES,), jnp.float32),
            pltpu.SemaphoreType.DMA,
            pltpu.SemaphoreType.DMA,
            pltpu.SemaphoreType.DMA,
            pltpu.SemaphoreType.DMA,
            pltpu.SemaphoreType.DMA,
            pltpu.SemaphoreType.DMA,
            pltpu.SemaphoreType.DMA,
            pltpu.SemaphoreType.DMA,
        ],
    )
    def sc_kernel(idx_hbm, rowsum_hbm, out_hbm,
                  idx_v, buf0, buf1, buf2, buf3, buf4, buf5, buf6, buf7,
                  outv, sem0, sem1, sem2, sem3, sem4, sem5, sem6, sem7):
        bufs = (buf0, buf1, buf2, buf3, buf4, buf5, buf6, buf7)
        sems = (sem0, sem1, sem2, sem3, sem4, sem5, sem6, sem7)
        wid = lax.axis_index("s") * nc + lax.axis_index("c")

        pltpu.sync_copy(
            idx_hbm.at[:, pl.ds(wid * cols_w, cols_w)], idx_v)

        def idx_slice(j):
            return idx_v.at[j // k_per_row,
                            pl.ds((j % k_per_row) * CHUNK, CHUNK)]

        for b in range(NBUF):
            pltpu.async_copy(rowsum_hbm.at[idx_slice(b)], bufs[b], sems[b])

        zero = jnp.zeros((LANES,), jnp.float32)

        def group(g, acc):
            for b in range(NBUF):
                j = g * NBUF + b
                pltpu.make_async_copy(
                    rowsum_hbm.at[idx_slice(j)], bufs[b], sems[b]).wait()
                c = bufs[b][0:LANES]
                for r in range(1, CHUNK // LANES):
                    c = c + bufs[b][r * LANES:(r + 1) * LANES]
                acc = acc + c
                nj = j + NBUF

                @pl.when(nj < n_chunks)
                def _():
                    pltpu.async_copy(
                        rowsum_hbm.at[idx_slice(nj)], bufs[b], sems[b])
            return acc

        acc = lax.fori_loop(0, n_chunks // NBUF, group, zero)
        outv[...] = acc
        pltpu.sync_copy(outv, out_hbm.at[wid])

    return sc_kernel


def kernel(x, table):
    nw = 32
    rowsum = _rowsum_tc(table.T)
    idx_t = x.astype(jnp.int32).T
    partials = _make_sc_kernel(nw)(idx_t, rowsum)
    return jnp.sum(partials) / jnp.float32(N_IDX * EMBED)

# --- scband reference (transcript-rebuilt; emitter-appended) ---
"""Pipeline reference for scband-baseline-27195732918861 (READ-ONLY COPY).

The authoritative reference and input builder live on the scoring server;
editing this copy changes nothing except your own understanding.
"""

import jax, jax.numpy as jnp
import numpy as np

VOCAB = 1000000
EMBED_DIM = 32
BATCH = 16384
FIELDS = 26


def setup_inputs(seed: int = 0) -> dict:
    key = jax.random.key(seed)
    k_idx, k_tab = jax.random.split(key)
    x = jax.random.randint(k_idx, (BATCH, FIELDS), 0, VOCAB)
    table = jax.random.normal(k_tab, (VOCAB, EMBED_DIM), dtype=jnp.float32)
    return {"x": x, "table": table}


def reference(x, table):
    # nn.Embedding lookup: gather rows of the pretrained table
    emb = jnp.take(table, x, axis=0)  # [BATCH, FIELDS, EMBED_DIM]
    # torch.mean over all elements -> scalar
    out = jnp.mean(emb)
    return out

if __name__ == "__main__":
    import jax
    _d = setup_inputs()
    print(jax.jit(kernel)(*tuple(_d.values())))

</pallas_src>

<mosaic_0001>
#map = affine_map<(d0, d1) -> (0, 0)>
#map1 = affine_map<(d0, d1) -> (0)>
module attributes {stable_mosaic.version = 14 : i64} {
  func.func @sc_kernel(%arg0: i32, %arg1: i32, %arg2: memref<26x16384xi32, #tpu.memory_space<hbm>>, %arg3: memref<1000000xf32, #tpu.memory_space<hbm>>, %arg4: memref<32x16xf32, #tpu.memory_space<hbm>>, %arg5: memref<26x512xi32, #tpu.memory_space<vmem>>, %arg6: memref<128xf32, #tpu.memory_space<vmem>>, %arg7: memref<128xf32, #tpu.memory_space<vmem>>, %arg8: memref<128xf32, #tpu.memory_space<vmem>>, %arg9: memref<128xf32, #tpu.memory_space<vmem>>, %arg10: memref<128xf32, #tpu.memory_space<vmem>>, %arg11: memref<128xf32, #tpu.memory_space<vmem>>, %arg12: memref<128xf32, #tpu.memory_space<vmem>>, %arg13: memref<128xf32, #tpu.memory_space<vmem>>, %arg14: memref<16xf32, #tpu.memory_space<vmem>>, %arg15: memref<!tpu.dma_semaphore, #tpu.memory_space<semaphore_mem>>, %arg16: memref<!tpu.dma_semaphore, #tpu.memory_space<semaphore_mem>>, %arg17: memref<!tpu.dma_semaphore, #tpu.memory_space<semaphore_mem>>, %arg18: memref<!tpu.dma_semaphore, #tpu.memory_space<semaphore_mem>>, %arg19: memref<!tpu.dma_semaphore, #tpu.memory_space<semaphore_mem>>, %arg20: memref<!tpu.dma_semaphore, #tpu.memory_space<semaphore_mem>>, %arg21: memref<!tpu.dma_semaphore, #tpu.memory_space<semaphore_mem>>, %arg22: memref<!tpu.dma_semaphore, #tpu.memory_space<semaphore_mem>>) attributes {dimension_semantics = [#tpu.dimension_semantics<core_parallel>, #tpu.dimension_semantics<subcore_parallel>], iteration_bounds = array<i64: 2, 16>, scalar_prefetch = 0 : i64, scratch_operands = 18 : i64, tpu.core_type = #tpu.core_type<sc_vector_subcore>, window_params = [{transform_indices = #map}, {transform_indices = #map1}, {transform_indices = #map}]} {
    %mul3A = arith.constant 2 : i32
    %mul3A_0 = arith.muli %arg1, %mul3A : i32
    %add3A = arith.addi %mul3A_0, %arg0 : i32
    %mul3A_1 = arith.constant 512 : i32
    %mul3A_2 = arith.muli %add3A, %mul3A_1 : i32
    "tpu.region"() ({
      %run_scoped3A = tpu.sem_alloc : memref<!tpu.dma_semaphore, #tpu.memory_space<semaphore_mem>>
      %dma_start3A_59 = arith.constant 0 : i32
      %dma_start3A_60 = tpu.memref_slice %arg2[%dma_start3A_59, %mul3A_2] : memref<26x16384xi32, #tpu.memory_space<hbm>> -> memref<26x512xi32, #tpu.memory_space<hbm>>
      %dma_start3A_61 = arith.constant 0 : i32
      %dma_start3A_62 = tpu.memref_slice %arg2[%dma_start3A_61, %mul3A_2] : memref<26x16384xi32, #tpu.memory_space<hbm>> -> memref<26x512xi32, #tpu.memory_space<hbm>>
      tpu.enqueue_dma source(%dma_start3A_62 : memref<26x512xi32, #tpu.memory_space<hbm>>) target(%arg5 : memref<26x512xi32, #tpu.memory_space<vmem>>) target_semaphore(%run_scoped3A : memref<!tpu.dma_semaphore, #tpu.memory_space<semaphore_mem>>)
      %dma_wait3A = arith.constant 0 : i32
      %dma_wait3A_63 = tpu.memref_slice %arg2[%dma_wait3A, %mul3A_2] : memref<26x16384xi32, #tpu.memory_space<hbm>> -> memref<26x512xi32, #tpu.memory_space<hbm>>
      %dma_wait3A_64 = arith.constant 0 : i32
      %dma_wait3A_65 = tpu.memref_slice %arg2[%dma_wait3A_64, %mul3A_2] : memref<26x16384xi32, #tpu.memory_space<hbm>> -> memref<26x512xi32, #tpu.memory_space<hbm>>
      tpu.wait_dma2 semaphore(%run_scoped3A : memref<!tpu.dma_semaphore, #tpu.memory_space<semaphore_mem>>) src(%dma_wait3A_65 : memref<26x512xi32, #tpu.memory_space<hbm>>) dst(%arg5 : memref<26x512xi32, #tpu.memory_space<vmem>>)
      tpu.yield
    }) : () -> ()
    %dma_start3A = arith.constant 0 : i32
    %dma_start3A_3 = arith.constant 0 : i32
    %dma_start3A_4 = tpu.memref_slice %arg5[%dma_start3A, %dma_start3A_3] : memref<26x512xi32, #tpu.memory_space<vmem>> -> memref<1x128xi32, #tpu.memory_space<vmem>>
    %dma_start3A_5 = tpu.memref_squeeze %dma_start3A_4 : memref<1x128xi32, #tpu.memory_space<vmem>> -> memref<128xi32, #tpu.memory_space<vmem>>
    %dma_start3A_6 = arith.constant 0 : i32
    %dma_start3A_7 = tpu.memref_slice %arg3[%dma_start3A_6] : memref<1000000xf32, #tpu.memory_space<hbm>> -> memref<1000000xf32, #tpu.memory_space<hbm>>
    tpu.enqueue_indirect_dma source(%dma_start3A_7 : memref<1000000xf32, #tpu.memory_space<hbm>>) target(%arg6 : memref<128xf32, #tpu.memory_space<vmem>>) offsets(%dma_start3A_5 : memref<128xi32, #tpu.memory_space<vmem>>) semaphore(%arg15 : memref<!tpu.dma_semaphore, #tpu.memory_space<semaphore_mem>>)
    %dma_start3A_8 = arith.constant 0 : i32
    %dma_start3A_9 = arith.constant 128 : i32
    %dma_start3A_10 = tpu.memref_slice %arg5[%dma_start3A_8, %dma_start3A_9] : memref<26x512xi32, #tpu.memory_space<vmem>> -> memref<1x128xi32, #tpu.memory_space<vmem>>
    %dma_start3A_11 = tpu.memref_squeeze %dma_start3A_10 : memref<1x128xi32, #tpu.memory_space<vmem>> -> memref<128xi32, #tpu.memory_space<vmem>>
    %dma_start3A_12 = arith.constant 0 : i32
    %dma_start3A_13 = tpu.memref_slice %arg3[%dma_start3A_12] : memref<1000000xf32, #tpu.memory_space<hbm>> -> memref<1000000xf32, #tpu.memory_space<hbm>>
    tpu.enqueue_indirect_dma source(%dma_start3A_13 : memref<1000000xf32, #tpu.memory_space<hbm>>) target(%arg7 : memref<128xf32, #tpu.memory_space<vmem>>) offsets(%dma_start3A_11 : memref<128xi32, #tpu.memory_space<vmem>>) semaphore(%arg16 : memref<!tpu.dma_semaphore, #tpu.memory_space<semaphore_mem>>)
    %dma_start3A_14 = arith.constant 0 : i32
    %dma_start3A_15 = arith.constant 256 : i32
    %dma_start3A_16 = tpu.memref_slice %arg5[%dma_start3A_14, %dma_start3A_15] : memref<26x512xi32, #tpu.memory_space<vmem>> -> memref<1x128xi32, #tpu.memory_space<vmem>>
    %dma_start3A_17 = tpu.memref_squeeze %dma_start3A_16 : memref<1x128xi32, #tpu.memory_space<vmem>> -> memref<128xi32, #tpu.memory_space<vmem>>
    %dma_start3A_18 = arith.constant 0 : i32
    %dma_start3A_19 = tpu.memref_slice %arg3[%dma_start3A_18] : memref<1000000xf32, #tpu.memory_space<hbm>> -> memref<1000000xf32, #tpu.memory_space<hbm>>
    tpu.enqueue_indirect_dma source(%dma_start3A_19 : memref<1000000xf32, #tpu.memory_space<hbm>>) target(%arg8 : memref<128xf32, #tpu.memory_space<vmem>>) offsets(%dma_start3A_17 : memref<128xi32, #tpu.memory_space<vmem>>) semaphore(%arg17 : memref<!tpu.dma_semaphore, #tpu.memory_space<semaphore_mem>>)
    %dma_start3A_20 = arith.constant 0 : i32
    %dma_start3A_21 = arith.constant 384 : i32
    %dma_start3A_22 = tpu.memref_slice %arg5[%dma_start3A_20, %dma_start3A_21] : memref<26x512xi32, #tpu.memory_space<vmem>> -> memref<1x128xi32, #tpu.memory_space<vmem>>
    %dma_start3A_23 = tpu.memref_squeeze %dma_start3A_22 : memref<1x128xi32, #tpu.memory_space<vmem>> -> memref<128xi32, #tpu.memory_space<vmem>>
    %dma_start3A_24 = arith.constant 0 : i32
    %dma_start3A_25 = tpu.memref_slice %arg3[%dma_start3A_24] : memref<1000000xf32, #tpu.memory_space<hbm>> -> memref<1000000xf32, #tpu.memory_space<hbm>>
    tpu.enqueue_indirect_dma source(%dma_start3A_25 : memref<1000000xf32, #tpu.memory_space<hbm>>) target(%arg9 : memref<128xf32, #tpu.memory_space<vmem>>) offsets(%dma_start3A_23 : memref<128xi32, #tpu.memory_space<vmem>>) semaphore(%arg18 : memref<!tpu.dma_semaphore, #tpu.memory_space<semaphore_mem>>)
    %dma_start3A_26 = arith.constant 1 : i32
    %dma_start3A_27 = arith.constant 0 : i32
    %dma_start3A_28 = tpu.memref_slice %arg5[%dma_start3A_26, %dma_start3A_27] : memref<26x512xi32, #tpu.memory_space<vmem>> -> memref<1x128xi32, #tpu.memory_space<vmem>>
    %dma_start3A_29 = tpu.memref_squeeze %dma_start3A_28 : memref<1x128xi32, #tpu.memory_space<vmem>> -> memref<128xi32, #tpu.memory_space<vmem>>
    %dma_start3A_30 = arith.constant 0 : i32
    %dma_start3A_31 = tpu.memref_slice %arg3[%dma_start3A_30] : memref<1000000xf32, #tpu.memory_space<hbm>> -> memref<1000000xf32, #tpu.memory_space<hbm>>
    tpu.enqueue_indirect_dma source(%dma_start3A_31 : memref<1000000xf32, #tpu.memory_space<hbm>>) target(%arg10 : memref<128xf32, #tpu.memory_space<vmem>>) offsets(%dma_start3A_29 : memref<128xi32, #tpu.memory_space<vmem>>) semaphore(%arg19 : memref<!tpu.dma_semaphore, #tpu.memory_space<semaphore_mem>>)
    %dma_start3A_32 = arith.constant 1 : i32
    %dma_start3A_33 = arith.constant 128 : i32
    %dma_start3A_34 = tpu.memref_slice %arg5[%dma_start3A_32, %dma_start3A_33] : memref<26x512xi32, #tpu.memory_space<vmem>> -> memref<1x128xi32, #tpu.memory_space<vmem>>
    %dma_start3A_35 = tpu.memref_squeeze %dma_start3A_34 : memref<1x128xi32, #tpu.memory_space<vmem>> -> memref<128xi32, #tpu.memory_space<vmem>>
    %dma_start3A_36 = arith.constant 0 : i32
    %dma_start3A_37 = tpu.memref_slice %arg3[%dma_start3A_36] : memref<1000000xf32, #tpu.memory_space<hbm>> -> memref<1000000xf32, #tpu.memory_space<hbm>>
    tpu.enqueue_indirect_dma source(%dma_start3A_37 : memref<1000000xf32, #tpu.memory_space<hbm>>) target(%arg11 : memref<128xf32, #tpu.memory_space<vmem>>) offsets(%dma_start3A_35 : memref<128xi32, #tpu.memory_space<vmem>>) semaphore(%arg20 : memref<!tpu.dma_semaphore, #tpu.memory_space<semaphore_mem>>)
    %dma_start3A_38 = arith.constant 1 : i32
    %dma_start3A_39 = arith.constant 256 : i32
    %dma_start3A_40 = tpu.memref_slice %arg5[%dma_start3A_38, %dma_start3A_39] : memref<26x512xi32, #tpu.memory_space<vmem>> -> memref<1x128xi32, #tpu.memory_space<vmem>>
    %dma_start3A_41 = tpu.memref_squeeze %dma_start3A_40 : memref<1x128xi32, #tpu.memory_space<vmem>> -> memref<128xi32, #tpu.memory_space<vmem>>
    %dma_start3A_42 = arith.constant 0 : i32
    %dma_start3A_43 = tpu.memref_slice %arg3[%dma_start3A_42] : memref<1000000xf32, #tpu.memory_space<hbm>> -> memref<1000000xf32, #tpu.memory_space<hbm>>
    tpu.enqueue_indirect_dma source(%dma_start3A_43 : memref<1000000xf32, #tpu.memory_space<hbm>>) target(%arg12 : memref<128xf32, #tpu.memory_space<vmem>>) offsets(%dma_start3A_41 : memref<128xi32, #tpu.memory_space<vmem>>) semaphore(%arg21 : memref<!tpu.dma_semaphore, #tpu.memory_space<semaphore_mem>>)
    %dma_start3A_44 = arith.constant 1 : i32
    %dma_start3A_45 = arith.constant 384 : i32
    %dma_start3A_46 = tpu.memref_slice %arg5[%dma_start3A_44, %dma_start3A_45] : memref<26x512xi32, #tpu.memory_space<vmem>> -> memref<1x128xi32, #tpu.memory_space<vmem>>
    %dma_start3A_47 = tpu.memref_squeeze %dma_start3A_46 : memref<1x128xi32, #tpu.memory_space<vmem>> -> memref<128xi32, #tpu.memory_space<vmem>>
    %dma_start3A_48 = arith.constant 0 : i32
    %dma_start3A_49 = tpu.memref_slice %arg3[%dma_start3A_48] : memref<1000000xf32, #tpu.memory_space<hbm>> -> memref<1000000xf32, #tpu.memory_space<hbm>>
    tpu.enqueue_indirect_dma source(%dma_start3A_49 : memref<1000000xf32, #tpu.memory_space<hbm>>) target(%arg13 : memref<128xf32, #tpu.memory_space<vmem>>) offsets(%dma_start3A_47 : memref<128xi32, #tpu.memory_space<vmem>>) semaphore(%arg22 : memref<!tpu.dma_semaphore, #tpu.memory_space<semaphore_mem>>)
    %broadcast_in_dim3A = arith.constant 0.000000e+00 : f32
    %broadcast_in_dim3A_50 = vector.broadcast %broadcast_in_dim3A : f32 to vector<16xf32>
    %scan3A = arith.constant 0 : i32
    %scan3A_51 = arith.constant 13 : i32
    %scan3A_52 = arith.addi %scan3A, %scan3A_51 : i32
    %scan3A_53 = arith.constant 1 : i32
    %scan3A_54 = scf.for %scan3A_59 = %scan3A to %scan3A_52 step %scan3A_53 iter_args(%scan3A_60 = %broadcast_in_dim3A_50) -> (vector<16xf32>)  : i32 {
      %mul3A_61 = arith.constant 8 : i32
      %mul3A_62 = arith.muli %scan3A_59, %mul3A_61 : i32
      %add3A_63 = arith.constant 0 : i32
      %add3A_64 = arith.addi %mul3A_62, %add3A_63 : i32
      %jit3A = arith.constant 4 : i32
      %div3A = arith.divsi %add3A_64, %jit3A : i32
      %sign3A = arith.constant 0 : i32
      %sign3A_65 = arith.cmpi sgt, %add3A_64, %sign3A : i32
      %sign3A_66 = arith.extui %sign3A_65 : i1 to i32
      %sign3A_67 = arith.constant 0 : i32
      %sign3A_68 = arith.cmpi slt, %add3A_64, %sign3A_67 : i32
      %sign3A_69 = arith.extui %sign3A_68 : i1 to i32
      %sign3A_70 = arith.subi %sign3A_66, %sign3A_69 : i32
      %sign3A_71 = arith.constant 0 : i32
      %sign3A_72 = arith.cmpi sgt, %jit3A, %sign3A_71 : i32
      %sign3A_73 = arith.extui %sign3A_72 : i1 to i32
      %sign3A_74 = arith.constant 0 : i32
      %sign3A_75 = arith.cmpi slt, %jit3A, %sign3A_74 : i32
      %sign3A_76 = arith.extui %sign3A_75 : i1 to i32
      %sign3A_77 = arith.subi %sign3A_73, %sign3A_76 : i32
      %ne3A = arith.cmpi ne, %sign3A_70, %sign3A_77 : i32
      %rem3A = arith.remsi %add3A_64, %jit3A : i32
      %ne3A_78 = arith.constant 0 : i32
      %ne3A_79 = arith.cmpi ne, %rem3A, %ne3A_78 : i32
      %and3A = arith.andi %ne3A, %ne3A_79 : i1
      %sub3A = arith.constant 1 : i32
      %sub3A_80 = arith.subi %div3A, %sub3A : i32
      %select_n3A = arith.select %and3A, %sub3A_80, %div3A : i32
      %jit3A_81 = arith.constant 4 : i32
      %eq3A = arith.constant 0 : i32
      %eq3A_82 = arith.cmpi eq, %jit3A_81, %eq3A : i32
      %jit3A_83 = arith.constant 1 : i32
      %select_n3A_84 = arith.select %eq3A_82, %jit3A_83, %jit3A_81 : i32
      %rem3A_85 = arith.remsi %add3A_64, %select_n3A_84 : i32
      %ne3A_86 = arith.constant 0 : i32
      %ne3A_87 = arith.cmpi ne, %rem3A_85, %ne3A_86 : i32
      %lt3A = arith.constant 0 : i32
      %lt3A_88 = arith.cmpi slt, %rem3A_85, %lt3A : i32
      %lt3A_89 = arith.constant 0 : i32
      %lt3A_90 = arith.cmpi slt, %select_n3A_84, %lt3A_89 : i32
      %ne3A_91 = arith.xori %lt3A_88, %lt3A_90 : i1
      %and3A_92 = arith.andi %ne3A_91, %ne3A_87 : i1
      %add3A_93 = arith.addi %rem3A_85, %select_n3A_84 : i32
      %select_n3A_94 = arith.select %and3A_92, %add3A_93, %rem3A_85 : i32
      %mul3A_95 = arith.constant 128 : i32
      %mul3A_96 = arith.muli %select_n3A_94, %mul3A_95 : i32
      %dma_wait3A = tpu.memref_slice %arg5[%select_n3A, %mul3A_96] : memref<26x512xi32, #tpu.memory_space<vmem>> -> memref<1x128xi32, #tpu.memory_space<vmem>>
      %dma_wait3A_97 = tpu.memref_squeeze %dma_wait3A : memref<1x128xi32, #tpu.memory_space<vmem>> -> memref<128xi32, #tpu.memory_space<vmem>>
      %dma_wait3A_98 = arith.constant 0 : i32
      %dma_wait3A_99 = tpu.memref_slice %arg3[%dma_wait3A_98] : memref<1000000xf32, #tpu.memory_space<hbm>> -> memref<1000000xf32, #tpu.memory_space<hbm>>
      tpu.wait_indirect_dma semaphore(%arg15 : memref<!tpu.dma_semaphore, #tpu.memory_space<semaphore_mem>>) src(%dma_wait3A_99 : memref<1000000xf32, #tpu.memory_space<hbm>>) dst(%arg6 : memref<128xf32, #tpu.memory_space<vmem>>)
      %get3A = arith.constant 0 : index
      %get3A_100 = tpu.vector_load %arg6[%get3A] {strides = array<i32>} : memref<128xf32, #tpu.memory_space<vmem>>, vector<16xf32>,
      %get3A_101 = vector.shape_cast %get3A_100 : vector<16xf32> to vector<16xf32>
      %get3A_102 = arith.constant 16 : index
      %get3A_103 = tpu.vector_load %arg6[%get3A_102] {strides = array<i32>} : memref<128xf32, #tpu.memory_space<vmem>>, vector<16xf32>,
      %get3A_104 = vector.shape_cast %get3A_103 : vector<16xf32> to vector<16xf32>
      %add3A_105 = arith.addf %get3A_101, %get3A_104 : vector<16xf32>
      %get3A_106 = arith.constant 32 : index
      %get3A_107 = tpu.vector_load %arg6[%get3A_106] {strides = array<i32>} : memref<128xf32, #tpu.memory_space<vmem>>, vector<16xf32>,
      %get3A_108 = vector.shape_cast %get3A_107 : vector<16xf32> to vector<16xf32>
      %add3A_109 = arith.addf %add3A_105, %get3A_108 : vector<16xf32>
      %get3A_110 = arith.constant 48 : index
      %get3A_111 = tpu.vector_load %arg6[%get3A_110] {strides = array<i32>} : memref<128xf32, #tpu.memory_space<vmem>>, vector<16xf32>,
      %get3A_112 = vector.shape_cast %get3A_111 : vector<16xf32> to vector<16xf32>
      %add3A_113 = arith.addf %add3A_109, %get3A_112 : vector<16xf32>
      %get3A_114 = arith.constant 64 : index
      %get3A_115 = tpu.vector_load %arg6[%get3A_114] {strides = array<i32>} : memref<128xf32, #tpu.memory_space<vmem>>, vector<16xf32>,
      %get3A_116 = vector.shape_cast %get3A_115 : vector<16xf32> to vector<16xf32>
      %add3A_117 = arith.addf %add3A_113, %get3A_116 : vector<16xf32>
      %get3A_118 = arith.constant 80 : index
      %get3A_119 = tpu.vector_load %arg6[%get3A_118] {strides = array<i32>} : memref<128xf32, #tpu.memory_space<vmem>>, vector<16xf32>,
      %get3A_120 = vector.shape_cast %get3A_119 : vector<16xf32> to vector<16xf32>
      %add3A_121 = arith.addf %add3A_117, %get3A_120 : vector<16xf32>
      %get3A_122 = arith.constant 96 : index
      %get3A_123 = tpu.vector_load %arg6[%get3A_122] {strides = array<i32>} : memref<128xf32, #tpu.memory_space<vmem>>, vector<16xf32>,
      %get3A_124 = vector.shape_cast %get3A_123 : vector<16xf32> to vector<16xf32>
      %add3A_125 = arith.addf %add3A_121, %get3A_124 : vector<16xf32>
      %get3A_126 = arith.constant 112 : index
      %get3A_127 = tpu.vector_load %arg6[%get3A_126] {strides = array<i32>} : memref<128xf32, #tpu.memory_space<vmem>>, vector<16xf32>,
      %get3A_128 = vector.shape_cast %get3A_127 : vector<16xf32> to vector<16xf32>
      %add3A_129 = arith.addf %add3A_125, %get3A_128 : vector<16xf32>
      %add3A_130 = arith.addf %scan3A_60, %add3A_129 : vector<16xf32>
      %add3A_131 = arith.constant 8 : i32
      %add3A_132 = arith.addi %add3A_64, %add3A_131 : i32
      %lt3A_133 = arith.constant 104 : i32
      %lt3A_134 = arith.cmpi slt, %add3A_132, %lt3A_133 : i32
      %convert_element_type3A = arith.extui %lt3A_134 : i1 to i32
      %cond3A = arith.constant 0 : i32
      %cond3A_135 = arith.cmpi ne, %convert_element_type3A, %cond3A : i32
      scf.if %cond3A_135 {
        %jit3A_759 = arith.constant 4 : i32
        %div3A_760 = arith.divsi %add3A_132, %jit3A_759 : i32
        %sign3A_761 = arith.constant 0 : i32
        %sign3A_762 = arith.cmpi sgt, %add3A_132, %sign3A_761 : i32
        %sign3A_763 = arith.extui %sign3A_762 : i1 to i32
        %sign3A_764 = arith.constant 0 : i32
        %sign3A_765 = arith.cmpi slt, %add3A_132, %sign3A_764 : i32
        %sign3A_766 = arith.extui %sign3A_765 : i1 to i32
        %sign3A_767 = arith.subi %sign3A_763, %sign3A_766 : i32
        %sign3A_768 = arith.constant 0 : i32
        %sign3A_769 = arith.cmpi sgt, %jit3A_759, %sign3A_768 : i32
        %sign3A_770 = arith.extui %sign3A_769 : i1 to i32
        %sign3A_771 = arith.constant 0 : i32
        %sign3A_772 = arith.cmpi slt, %jit3A_759, %sign3A_771 : i32
        %sign3A_773 = arith.extui %sign3A_772 : i1 to i32
        %sign3A_774 = arith.subi %sign3A_770, %sign3A_773 : i32
        %ne3A_775 = arith.cmpi ne, %sign3A_767, %sign3A_774 : i32
        %rem3A_776 = arith.remsi %add3A_132, %jit3A_759 : i32
        %ne3A_777 = arith.constant 0 : i32
        %ne3A_778 = arith.cmpi ne, %rem3A_776, %ne3A_777 : i32
        %and3A_779 = arith.andi %ne3A_775, %ne3A_778 : i1
        %sub3A_780 = arith.constant 1 : i32
        %sub3A_781 = arith.subi %div3A_760, %sub3A_780 : i32
        %select_n3A_782 = arith.select %and3A_779, %sub3A_781, %div3A_760 : i32
        %jit3A_783 = arith.constant 4 : i32
        %eq3A_784 = arith.constant 0 : i32
        %eq3A_785 = arith.cmpi eq, %jit3A_783, %eq3A_784 : i32
        %jit3A_786 = arith.constant 1 : i32
        %select_n3A_787 = arith.select %eq3A_785, %jit3A_786, %jit3A_783 : i32
        %rem3A_788 = arith.remsi %add3A_132, %select_n3A_787 : i32
        %ne3A_789 = arith.constant 0 : i32
        %ne3A_790 = arith.cmpi ne, %rem3A_788, %ne3A_789 : i32
        %lt3A_791 = arith.constant 0 : i32
        %lt3A_792 = arith.cmpi slt, %rem3A_788, %lt3A_791 : i32
        %lt3A_793 = arith.constant 0 : i32
        %lt3A_794 = arith.cmpi slt, %select_n3A_787, %lt3A_793 : i32
        %ne3A_795 = arith.xori %lt3A_792, %lt3A_794 : i1
        %and3A_796 = arith.andi %ne3A_795, %ne3A_790 : i1
        %add3A_797 = arith.addi %rem3A_788, %select_n3A_787 : i32
        %select_n3A_798 = arith.select %and3A_796, %add3A_797, %rem3A_788 : i32
        %mul3A_799 = arith.constant 128 : i32
        %mul3A_800 = arith.muli %select_n3A_798, %mul3A_799 : i32
        %dma_start3A_801 = tpu.memref_slice %arg5[%select_n3A_782, %mul3A_800] : memref<26x512xi32, #tpu.memory_space<vmem>> -> memref<1x128xi32, #tpu.memory_space<vmem>>
        %dma_start3A_802 = tpu.memref_squeeze %dma_start3A_801 : memref<1x128xi32, #tpu.memory_space<vmem>> -> memref<128xi32, #tpu.memory_space<vmem>>
        %dma_start3A_803 = arith.constant 0 : i32
        %dma_start3A_804 = tpu.memref_slice %arg3[%dma_start3A_803] : memref<1000000xf32, #tpu.memory_space<hbm>> -> memref<1000000xf32, #tpu.memory_space<hbm>>
        tpu.enqueue_indirect_dma source(%dma_start3A_804 : memref<1000000xf32, #tpu.memory_space<hbm>>) target(%arg6 : memref<128xf32, #tpu.memory_space<vmem>>) offsets(%dma_start3A_802 : memref<128xi32, #tpu.memory_space<vmem>>) semaphore(%arg15 : memref<!tpu.dma_semaphore, #tpu.memory_space<semaphore_mem>>)
      } else {
      }
      %mul3A_136 = arith.constant 8 : i32
      %mul3A_137 = arith.muli %scan3A_59, %mul3A_136 : i32
      %add3A_138 = arith.constant 1 : i32
      %add3A_139 = arith.addi %mul3A_137, %add3A_138 : i32
      %jit3A_140 = arith.constant 4 : i32
      %div3A_141 = arith.divsi %add3A_139, %jit3A_140 : i32
      %sign3A_142 = arith.constant 0 : i32
      %sign3A_143 = arith.cmpi sgt, %add3A_139, %sign3A_142 : i32
      %sign3A_144 = arith.extui %sign3A_143 : i1 to i32
      %sign3A_145 = arith.constant 0 : i32
      %sign3A_146 = arith.cmpi slt, %add3A_139, %sign3A_145 : i32
      %sign3A_147 = arith.extui %sign3A_146 : i1 to i32
      %sign3A_148 = arith.subi %sign3A_144, %sign3A_147 : i32
      %sign3A_149 = arith.constant 0 : i32
      %sign3A_150 = arith.cmpi sgt, %jit3A_140, %sign3A_149 : i32
      %sign3A_151 = arith.extui %sign3A_150 : i1 to i32
      %sign3A_152 = arith.constant 0 : i32
      %sign3A_153 = arith.cmpi slt, %jit3A_140, %sign3A_152 : i32
      %sign3A_154 = arith.extui %sign3A_153 : i1 to i32
      %sign3A_155 = arith.subi %sign3A_151, %sign3A_154 : i32
      %ne3A_156 = arith.cmpi ne, %sign3A_148, %sign3A_155 : i32
      %rem3A_157 = arith.remsi %add3A_139, %jit3A_140 : i32
      %ne3A_158 = arith.constant 0 : i32
      %ne3A_159 = arith.cmpi ne, %rem3A_157, %ne3A_158 : i32
      %and3A_160 = arith.andi %ne3A_156, %ne3A_159 : i1
      %sub3A_161 = arith.constant 1 : i32
      %sub3A_162 = arith.subi %div3A_141, %sub3A_161 : i32
      %select_n3A_163 = arith.select %and3A_160, %sub3A_162, %div3A_141 : i32
      %jit3A_164 = arith.constant 4 : i32
      %eq3A_165 = arith.constant 0 : i32
      %eq3A_166 = arith.cmpi eq, %jit3A_164, %eq3A_165 : i32
      %jit3A_167 = arith.constant 1 : i32
      %select_n3A_168 = arith.select %eq3A_166, %jit3A_167, %jit3A_164 : i32
      %rem3A_169 = arith.remsi %add3A_139, %select_n3A_168 : i32
      %ne3A_170 = arith.constant 0 : i32
      %ne3A_171 = arith.cmpi ne, %rem3A_169, %ne3A_170 : i32
      %lt3A_172 = arith.constant 0 : i32
      %lt3A_173 = arith.cmpi slt, %rem3A_169, %lt3A_172 : i32
      %lt3A_174 = arith.constant 0 : i32
      %lt3A_175 = arith.cmpi slt, %select_n3A_168, %lt3A_174 : i32
      %ne3A_176 = arith.xori %lt3A_173, %lt3A_175 : i1
      %and3A_177 = arith.andi %ne3A_176, %ne3A_171 : i1
      %add3A_178 = arith.addi %rem3A_169, %select_n3A_168 : i32
      %select_n3A_179 = arith.select %and3A_177, %add3A_178, %rem3A_169 : i32
      %mul3A_180 = arith.constant 128 : i32
      %mul3A_181 = arith.muli %select_n3A_179, %mul3A_180 : i32
      %dma_wait3A_182 = tpu.memref_slice %arg5[%select_n3A_163, %mul3A_181] : memref<26x512xi32, #tpu.memory_space<vmem>> -> memref<1x128xi32, #tpu.memory_space<vmem>>
      %dma_wait3A_183 = tpu.memref_squeeze %dma_wait3A_182 : memref<1x128xi32, #tpu.memory_space<vmem>> -> memref<128xi32, #tpu.memory_space<vmem>>
      %dma_wait3A_184 = arith.constant 0 : i32
      %dma_wait3A_185 = tpu.memref_slice %arg3[%dma_wait3A_184] : memref<1000000xf32, #tpu.memory_space<hbm>> -> memref<1000000xf32, #tpu.memory_space<hbm>>
      tpu.wait_indirect_dma semaphore(%arg16 : memref<!tpu.dma_semaphore, #tpu.memory_space<semaphore_mem>>) src(%dma_wait3A_185 : memref<1000000xf32, #tpu.memory_space<hbm>>) dst(%arg7 : memref<128xf32, #tpu.memory_space<vmem>>)
      %get3A_186 = arith.constant 0 : index
      %get3A_187 = tpu.vector_load %arg7[%get3A_186] {strides = array<i32>} : memref<128xf32, #tpu.memory_space<vmem>>, vector<16xf32>,
      %get3A_188 = vector.shape_cast %get3A_187 : vector<16xf32> to vector<16xf32>
      %get3A_189 = arith.constant 16 : index
      %get3A_190 = tpu.vector_load %arg7[%get3A_189] {strides = array<i32>} : memref<128xf32, #tpu.memory_space<vmem>>, vector<16xf32>,
      %get3A_191 = vector.shape_cast %get3A_190 : vector<16xf32> to vector<16xf32>
      %add3A_192 = arith.addf %get3A_188, %get3A_191 : vector<16xf32>
      %get3A_193 = arith.constant 32 : index
      %get3A_194 = tpu.vector_load %arg7[%get3A_193] {strides = array<i32>} : memref<128xf32, #tpu.memory_space<vmem>>, vector<16xf32>,
      %get3A_195 = vector.shape_cast %get3A_194 : vector<16xf32> to vector<16xf32>
      %add3A_196 = arith.addf %add3A_192, %get3A_195 : vector<16xf32>
      %get3A_197 = arith.constant 48 : index
      %get3A_198 = tpu.vector_load %arg7[%get3A_197] {strides = array<i32>} : memref<128xf32, #tpu.memory_space<vmem>>, vector<16xf32>,
      %get3A_199 = vector.shape_cast %get3A_198 : vector<16xf32> to vector<16xf32>
      %add3A_200 = arith.addf %add3A_196, %get3A_199 : vector<16xf32>
      %get3A_201 = arith.constant 64 : index
      %get3A_202 = tpu.vector_load %arg7[%get3A_201] {strides = array<i32>} : memref<128xf32, #tpu.memory_space<vmem>>, vector<16xf32>,
      %get3A_203 = vector.shape_cast %get3A_202 : vector<16xf32> to vector<16xf32>
      %add3A_204 = arith.addf %add3A_200, %get3A_203 : vector<16xf32>
      %get3A_205 = arith.constant 80 : index
      %get3A_206 = tpu.vector_load %arg7[%get3A_205] {strides = array<i32>} : memref<128xf32, #tpu.memory_space<vmem>>, vector<16xf32>,
      %get3A_207 = vector.shape_cast %get3A_206 : vector<16xf32> to vector<16xf32>
      %add3A_208 = arith.addf %add3A_204, %get3A_207 : vector<16xf32>
      %get3A_209 = arith.constant 96 : index
      %get3A_210 = tpu.vector_load %arg7[%get3A_209] {strides = array<i32>} : memref<128xf32, #tpu.memory_space<vmem>>, vector<16xf32>,
      %get3A_211 = vector.shape_cast %get3A_210 : vector<16xf32> to vector<16xf32>
      %add3A_212 = arith.addf %add3A_208, %get3A_211 : vector<16xf32>
      %get3A_213 = arith.constant 112 : index
      %get3A_214 = tpu.vector_load %arg7[%get3A_213] {strides = array<i32>} : memref<128xf32, #tpu.memory_space<vmem>>, vector<16xf32>,
      %get3A_215 = vector.shape_cast %get3A_214 : vector<16xf32> to vector<16xf32>
      %add3A_216 = arith.addf %add3A_212, %get3A_215 : vector<16xf32>
      %add3A_217 = arith.addf %add3A_130, %add3A_216 : vector<16xf32>
      %add3A_218 = arith.constant 8 : i32
      %add3A_219 = arith.addi %add3A_139, %add3A_218 : i32
      %lt3A_220 = arith.constant 104 : i32
      %lt3A_221 = arith.cmpi slt, %add3A_219, %lt3A_220 : i32
      %convert_element_type3A_222 = arith.extui %lt3A_221 : i1 to i32
      %cond3A_223 = arith.constant 0 : i32
      %cond3A_224 = arith.cmpi ne, %convert_element_type3A_222, %cond3A_223 : i32
      scf.if %cond3A_224 {
        %jit3A_759 = arith.constant 4 : i32
        %div3A_760 = arith.divsi %add3A_219, %jit3A_759 : i32
        %sign3A_761 = arith.constant 0 : i32
        %sign3A_762 = arith.cmpi sgt, %add3A_219, %sign3A_761 : i32
        %sign3A_763 = arith.extui %sign3A_762 : i1 to i32
        %sign3A_764 = arith.constant 0 : i32
        %sign3A_765 = arith.cmpi slt, %add3A_219, %sign3A_764 : i32
        %sign3A_766 = arith.extui %sign3A_765 : i1 to i32
        %sign3A_767 = arith.subi %sign3A_763, %sign3A_766 : i32
        %sign3A_768 = arith.constant 0 : i32
        %sign3A_769 = arith.cmpi sgt, %jit3A_759, %sign3A_768 : i32
        %sign3A_770 = arith.extui %sign3A_769 : i1 to i32
        %sign3A_771 = arith.constant 0 : i32
        %sign3A_772 = arith.cmpi slt, %jit3A_759, %sign3A_771 : i32
        %sign3A_773 = arith.extui %sign3A_772 : i1 to i32
        %sign3A_774 = arith.subi %sign3A_770, %sign3A_773 : i32
        %ne3A_775 = arith.cmpi ne, %sign3A_767, %sign3A_774 : i32
        %rem3A_776 = arith.remsi %add3A_219, %jit3A_759 : i32
        %ne3A_777 = arith.constant 0 : i32
        %ne3A_778 = arith.cmpi ne, %rem3A_776, %ne3A_777 : i32
        %and3A_779 = arith.andi %ne3A_775, %ne3A_778 : i1
        %sub3A_780 = arith.constant 1 : i32
        %sub3A_781 = arith.subi %div3A_760, %sub3A_780 : i32
        %select_n3A_782 = arith.select %and3A_779, %sub3A_781, %div3A_760 : i32
        %jit3A_783 = arith.constant 4 : i32
        %eq3A_784 = arith.constant 0 : i32
        %eq3A_785 = arith.cmpi eq, %jit3A_783, %eq3A_784 : i32
        %jit3A_786 = arith.constant 1 : i32
        %select_n3A_787 = arith.select %eq3A_785, %jit3A_786, %jit3A_783 : i32
        %rem3A_788 = arith.remsi %add3A_219, %select_n3A_787 : i32
        %ne3A_789 = arith.constant 0 : i32
        %ne3A_790 = arith.cmpi ne, %rem3A_788, %ne3A_789 : i32
        %lt3A_791 = arith.constant 0 : i32
        %lt3A_792 = arith.cmpi slt, %rem3A_788, %lt3A_791 : i32
        %lt3A_793 = arith.constant 0 : i32
        %lt3A_794 = arith.cmpi slt, %select_n3A_787, %lt3A_793 : i32
        %ne3A_795 = arith.xori %lt3A_792, %lt3A_794 : i1
        %and3A_796 = arith.andi %ne3A_795, %ne3A_790 : i1
        %add3A_797 = arith.addi %rem3A_788, %select_n3A_787 : i32
        %select_n3A_798 = arith.select %and3A_796, %add3A_797, %rem3A_788 : i32
        %mul3A_799 = arith.constant 128 : i32
        %mul3A_800 = arith.muli %select_n3A_798, %mul3A_799 : i32
        %dma_start3A_801 = tpu.memref_slice %arg5[%select_n3A_782, %mul3A_800] : memref<26x512xi32, #tpu.memory_space<vmem>> -> memref<1x128xi32, #tpu.memory_space<vmem>>
        %dma_start3A_802 = tpu.memref_squeeze %dma_start3A_801 : memref<1x128xi32, #tpu.memory_space<vmem>> -> memref<128xi32, #tpu.memory_space<vmem>>
        %dma_start3A_803 = arith.constant 0 : i32
        %dma_start3A_804 = tpu.memref_slice %arg3[%dma_start3A_803] : memref<1000000xf32, #tpu.memory_space<hbm>> -> memref<1000000xf32, #tpu.memory_space<hbm>>
        tpu.enqueue_indirect_dma source(%dma_start3A_804 : memref<1000000xf32, #tpu.memory_space<hbm>>) target(%arg7 : memref<128xf32, #tpu.memory_space<vmem>>) offsets(%dma_start3A_802 : memref<128xi32, #tpu.memory_space<vmem>>) semaphore(%arg16 : memref<!tpu.dma_semaphore, #tpu.memory_space<semaphore_mem>>)
      } else {
      }
      %mul3A_225 = arith.constant 8 : i32
      %mul3A_226 = arith.muli %scan3A_59, %mul3A_225 : i32
      %add3A_227 = arith.constant 2 : i32
      %add3A_228 = arith.addi %mul3A_226, %add3A_227 : i32
      %jit3A_229 = arith.constant 4 : i32
      %div3A_230 = arith.divsi %add3A_228, %jit3A_229 : i32
      %sign3A_231 = arith.constant 0 : i32
      %sign3A_232 = arith.cmpi sgt, %add3A_228, %sign3A_231 : i32
      %sign3A_233 = arith.extui %sign3A_232 : i1 to i32
      %sign3A_234 = arith.constant 0 : i32
      %sign3A_235 = arith.cmpi slt, %add3A_228, %sign3A_234 : i32
      %sign3A_236 = arith.extui %sign3A_235 : i1 to i32
      %sign3A_237 = arith.subi %sign3A_233, %sign3A_236 : i32
      %sign3A_238 = arith.constant 0 : i32
      %sign3A_239 = arith.cmpi sgt, %jit3A_229, %sign3A_238 : i32
      %sign3A_240 = arith.extui %sign3A_239 : i1 to i32
      %sign3A_241 = arith.constant 0 : i32
      %sign3A_242 = arith.cmpi slt, %jit3A_229, %sign3A_241 : i32
      %sign3A_243 = arith.extui %sign3A_242 : i1 to i32
      %sign3A_244 = arith.subi %sign3A_240, %sign3A_243 : i32
      %ne3A_245 = arith.cmpi ne, %sign3A_237, %sign3A_244 : i32
      %rem3A_246 = arith.remsi %add3A_228, %jit3A_229 : i32
      %ne3A_247 = arith.constant 0 : i32
      %ne3A_248 = arith.cmpi ne, %rem3A_246, %ne3A_247 : i32
      %and3A_249 = arith.andi %ne3A_245, %ne3A_248 : i1
      %sub3A_250 = arith.constant 1 : i32
      %sub3A_251 = arith.subi %div3A_230, %sub3A_250 : i32
      %select_n3A_252 = arith.select %and3A_249, %sub3A_251, %div3A_230 : i32
      %jit3A_253 = arith.constant 4 : i32
      %eq3A_254 = arith.constant 0 : i32
      %eq3A_255 = arith.cmpi eq, %jit3A_253, %eq3A_254 : i32
      %jit3A_256 = arith.constant 1 : i32
      %select_n3A_257 = arith.select %eq3A_255, %jit3A_256, %jit3A_253 : i32
      %rem3A_258 = arith.remsi %add3A_228, %select_n3A_257 : i32
      %ne3A_259 = arith.constant 0 : i32
      %ne3A_260 = arith.cmpi ne, %rem3A_258, %ne3A_259 : i32
      %lt3A_261 = arith.constant 0 : i32
      %lt3A_262 = arith.cmpi slt, %rem3A_258, %lt3A_261 : i32
      %lt3A_263 = arith.constant 0 : i32
      %lt3A_264 = arith.cmpi slt, %select_n3A_257, %lt3A_263 : i32
      %ne3A_265 = arith.xori %lt3A_262, %lt3A_264 : i1
      %and3A_266 = arith.andi %ne3A_265, %ne3A_260 : i1
      %add3A_267 = arith.addi %rem3A_258, %select_n3A_257 : i32
      %select_n3A_268 = arith.select %and3A_266, %add3A_267, %rem3A_258 : i32
      %mul3A_269 = arith.constant 128 : i32
      %mul3A_270 = arith.muli %select_n3A_268, %mul3A_269 : i32
      %dma_wait3A_271 = tpu.memref_slice %arg5[%select_n3A_252, %mul3A_270] : memref<26x512xi32, #tpu.memory_space<vmem>> -> memref<1x128xi32, #tpu.memory_space<vmem>>
      %dma_wait3A_272 = tpu.memref_squeeze %dma_wait3A_271 : memref<1x128xi32, #tpu.memory_space<vmem>> -> memref<128xi32, #tpu.memory_space<vmem>>
      %dma_wait3A_273 = arith.constant 0 : i32
      %dma_wait3A_274 = tpu.memref_slice %arg3[%dma_wait3A_273] : memref<1000000xf32, #tpu.memory_space<hbm>> -> memref<1000000xf32, #tpu.memory_space<hbm>>
      tpu.wait_indirect_dma semaphore(%arg17 : memref<!tpu.dma_semaphore, #tpu.memory_space<semaphore_mem>>) src(%dma_wait3A_274 : memref<1000000xf32, #tpu.memory_space<hbm>>) dst(%arg8 : memref<128xf32, #tpu.memory_space<vmem>>)
      %get3A_275 = arith.constant 0 : index
      %get3A_276 = tpu.vector_load %arg8[%get3A_275] {strides = array<i32>} : memref<128xf32, #tpu.memory_space<vmem>>, vector<16xf32>,
      %get3A_277 = vector.shape_cast %get3A_276 : vector<16xf32> to vector<16xf32>
      %get3A_278 = arith.constant 16 : index
      %get3A_279 = tpu.vector_load %arg8[%get3A_278] {strides = array<i32>} : memref<128xf32, #tpu.memory_space<vmem>>, vector<16xf32>,
      %get3A_280 = vector.shape_cast %get3A_279 : vector<16xf32> to vector<16xf32>
      %add3A_281 = arith.addf %get3A_277, %get3A_280 : vector<16xf32>
      %get3A_282 = arith.constant 32 : index
      %get3A_283 = tpu.vector_load %arg8[%get3A_282] {strides = array<i32>} : memref<128xf32, #tpu.memory_space<vmem>>, vector<16xf32>,
      %get3A_284 = vector.shape_cast %get3A_283 : vector<16xf32> to vector<16xf32>
      %add3A_285 = arith.addf %add3A_281, %get3A_284 : vector<16xf32>
      %get3A_286 = arith.constant 48 : index
      %get3A_287 = tpu.vector_load %arg8[%get3A_286] {strides = array<i32>} : memref<128xf32, #tpu.memory_space<vmem>>, vector<16xf32>,
      %get3A_288 = vector.shape_cast %get3A_287 : vector<16xf32> to vector<16xf32>
      %add3A_289 = arith.addf %add3A_285, %get3A_288 : vector<16xf32>
      %get3A_290 = arith.constant 64 : index
      %get3A_291 = tpu.vector_load %arg8[%get3A_290] {strides = array<i32>} : memref<128xf32, #tpu.memory_space<vmem>>, vector<16xf32>,
      %get3A_292 = vector.shape_cast %get3A_291 : vector<16xf32> to vector<16xf32>
      %add3A_293 = arith.addf %add3A_289, %get3A_292 : vector<16xf32>
      %get3A_294 = arith.constant 80 : index
      %get3A_295 = tpu.vector_load %arg8[%get3A_294] {strides = array<i32>} : memref<128xf32, #tpu.memory_space<vmem>>, vector<16xf32>,
      %get3A_296 = vector.shape_cast %get3A_295 : vector<16xf32> to vector<16xf32>
      %add3A_297 = arith.addf %add3A_293, %get3A_296 : vector<16xf32>
      %get3A_298 = arith.constant 96 : index
      %get3A_299 = tpu.vector_load %arg8[%get3A_298] {strides = array<i32>} : memref<128xf32, #tpu.memory_space<vmem>>, vector<16xf32>,
      %get3A_300 = vector.shape_cast %get3A_299 : vector<16xf32> to vector<16xf32>
      %add3A_301 = arith.addf %add3A_297, %get3A_300 : vector<16xf32>
      %get3A_302 = arith.constant 112 : index
      %get3A_303 = tpu.vector_load %arg8[%get3A_302] {strides = array<i32>} : memref<128xf32, #tpu.memory_space<vmem>>, vector<16xf32>,
      %get3A_304 = vector.shape_cast %get3A_303 : vector<16xf32> to vector<16xf32>
      %add3A_305 = arith.addf %add3A_301, %get3A_304 : vector<16xf32>
      %add3A_306 = arith.addf %add3A_217, %add3A_305 : vector<16xf32>
      %add3A_307 = arith.constant 8 : i32
      %add3A_308 = arith.addi %add3A_228, %add3A_307 : i32
      %lt3A_309 = arith.constant 104 : i32
      %lt3A_310 = arith.cmpi slt, %add3A_308, %lt3A_309 : i32
      %convert_element_type3A_311 = arith.extui %lt3A_310 : i1 to i32
      %cond3A_312 = arith.constant 0 : i32
      %cond3A_313 = arith.cmpi ne, %convert_element_type3A_311, %cond3A_312 : i32
      scf.if %cond3A_313 {
        %jit3A_759 = arith.constant 4 : i32
        %div3A_760 = arith.divsi %add3A_308, %jit3A_759 : i32
        %sign3A_761 = arith.constant 0 : i32
        %sign3A_762 = arith.cmpi sgt, %add3A_308, %sign3A_761 : i32
        %sign3A_763 = arith.extui %sign3A_762 : i1 to i32
        %sign3A_764 = arith.constant 0 : i32
        %sign3A_765 = arith.cmpi slt, %add3A_308, %sign3A_764 : i32
        %sign3A_766 = arith.extui %sign3A_765 : i1 to i32
        %sign3A_767 = arith.subi %sign3A_763, %sign3A_766 : i32
        %sign3A_768 = arith.constant 0 : i32
        %sign3A_769 = arith.cmpi sgt, %jit3A_759, %sign3A_768 : i32
        %sign3A_770 = arith.extui %sign3A_769 : i1 to i32
        %sign3A_771 = arith.constant 0 : i32
        %sign3A_772 = arith.cmpi slt, %jit3A_759, %sign3A_771 : i32
        %sign3A_773 = arith.extui %sign3A_772 : i1 to i32
        %sign3A_774 = arith.subi %sign3A_770, %sign3A_773 : i32
        %ne3A_775 = arith.cmpi ne, %sign3A_767, %sign3A_774 : i32
        %rem3A_776 = arith.remsi %add3A_308, %jit3A_759 : i32
        %ne3A_777 = arith.constant 0 : i32
        %ne3A_778 = arith.cmpi ne, %rem3A_776, %ne3A_777 : i32
        %and3A_779 = arith.andi %ne3A_775, %ne3A_778 : i1
        %sub3A_780 = arith.constant 1 : i32
        %sub3A_781 = arith.subi %div3A_760, %sub3A_780 : i32
        %select_n3A_782 = arith.select %and3A_779, %sub3A_781, %div3A_760 : i32
        %jit3A_783 = arith.constant 4 : i32
        %eq3A_784 = arith.constant 0 : i32
        %eq3A_785 = arith.cmpi eq, %jit3A_783, %eq3A_784 : i32
        %jit3A_786 = arith.constant 1 : i32
        %select_n3A_787 = arith.select %eq3A_785, %jit3A_786, %jit3A_783 : i32
        %rem3A_788 = arith.remsi %add3A_308, %select_n3A_787 : i32
        %ne3A_789 = arith.constant 0 : i32
        %ne3A_790 = arith.cmpi ne, %rem3A_788, %ne3A_789 : i32
        %lt3A_791 = arith.constant 0 : i32
        %lt3A_792 = arith.cmpi slt, %rem3A_788, %lt3A_791 : i32
        %lt3A_793 = arith.constant 0 : i32
        %lt3A_794 = arith.cmpi slt, %select_n3A_787, %lt3A_793 : i32
        %ne3A_795 = arith.xori %lt3A_792, %lt3A_794 : i1
        %and3A_796 = arith.andi %ne3A_795, %ne3A_790 : i1
        %add3A_797 = arith.addi %rem3A_788, %select_n3A_787 : i32
        %select_n3A_798 = arith.select %and3A_796, %add3A_797, %rem3A_788 : i32
        %mul3A_799 = arith.constant 128 : i32
        %mul3A_800 = arith.muli %select_n3A_798, %mul3A_799 : i32
        %dma_start3A_801 = tpu.memref_slice %arg5[%select_n3A_782, %mul3A_800] : memref<26x512xi32, #tpu.memory_space<vmem>> -> memref<1x128xi32, #tpu.memory_space<vmem>>
        %dma_start3A_802 = tpu.memref_squeeze %dma_start3A_801 : memref<1x128xi32, #tpu.memory_space<vmem>> -> memref<128xi32, #tpu.memory_space<vmem>>
        %dma_start3A_803 = arith.constant 0 : i32
        %dma_start3A_804 = tpu.memref_slice %arg3[%dma_start3A_803] : memref<1000000xf32, #tpu.memory_space<hbm>> -> memref<1000000xf32, #tpu.memory_space<hbm>>
        tpu.enqueue_indirect_dma source(%dma_start3A_804 : memref<1000000xf32, #tpu.memory_space<hbm>>) target(%arg8 : memref<128xf32, #tpu.memory_space<vmem>>) offsets(%dma_start3A_802 : memref<128xi32, #tpu.memory_space<vmem>>) semaphore(%arg17 : memref<!tpu.dma_semaphore, #tpu.memory_space<semaphore_mem>>)
      } else {
      }
      %mul3A_314 = arith.constant 8 : i32
      %mul3A_315 = arith.muli %scan3A_59, %mul3A_314 : i32
      %add3A_316 = arith.constant 3 : i32
      %add3A_317 = arith.addi %mul3A_315, %add3A_316 : i32
      %jit3A_318 = arith.constant 4 : i32
      %div3A_319 = arith.divsi %add3A_317, %jit3A_318 : i32
      %sign3A_320 = arith.constant 0 : i32
      %sign3A_321 = arith.cmpi sgt, %add3A_317, %sign3A_320 : i32
      %sign3A_322 = arith.extui %sign3A_321 : i1 to i32
      %sign3A_323 = arith.constant 0 : i32
      %sign3A_324 = arith.cmpi slt, %add3A_317, %sign3A_323 : i32
      %sign3A_325 = arith.extui %sign3A_324 : i1 to i32
      %sign3A_326 = arith.subi %sign3A_322, %sign3A_325 : i32
      %sign3A_327 = arith.constant 0 : i32
      %sign3A_328 = arith.cmpi sgt, %jit3A_318, %sign3A_327 : i32
      %sign3A_329 = arith.extui %sign3A_328 : i1 to i32
      %sign3A_330 = arith.constant 0 : i32
      %sign3A_331 = arith.cmpi slt, %jit3A_318, %sign3A_330 : i32
      %sign3A_332 = arith.extui %sign3A_331 : i1 to i32
      %sign3A_333 = arith.subi %sign3A_329, %sign3A_332 : i32
      %ne3A_334 = arith.cmpi ne, %sign3A_326, %sign3A_333 : i32
      %rem3A_335 = arith.remsi %add3A_317, %jit3A_318 : i32
      %ne3A_336 = arith.constant 0 : i32
      %ne3A_337 = arith.cmpi ne, %rem3A_335, %ne3A_336 : i32
      %and3A_338 = arith.andi %ne3A_334, %ne3A_337 : i1
      %sub3A_339 = arith.constant 1 : i32
      %sub3A_340 = arith.subi %div3A_319, %sub3A_339 : i32
      %select_n3A_341 = arith.select %and3A_338, %sub3A_340, %div3A_319 : i32
      %jit3A_342 = arith.constant 4 : i32
      %eq3A_343 = arith.constant 0 : i32
      %eq3A_344 = arith.cmpi eq, %jit3A_342, %eq3A_343 : i32
      %jit3A_345 = arith.constant 1 : i32
      %select_n3A_346 = arith.select %eq3A_344, %jit3A_345, %jit3A_342 : i32
      %rem3A_347 = arith.remsi %add3A_317, %select_n3A_346 : i32
      %ne3A_348 = arith.constant 0 : i32
      %ne3A_349 = arith.cmpi ne, %rem3A_347, %ne3A_348 : i32
      %lt3A_350 = arith.constant 0 : i32
      %lt3A_351 = arith.cmpi slt, %rem3A_347, %lt3A_350 : i32
      %lt3A_352 = arith.constant 0 : i32
      %lt3A_353 = arith.cmpi slt, %select_n3A_346, %lt3A_352 : i32
      %ne3A_354 = arith.xori %lt3A_351, %lt3A_353 : i1
      %and3A_355 = arith.andi %ne3A_354, %ne3A_349 : i1
      %add3A_356 = arith.addi %rem3A_347, %select_n3A_346 : i32
      %select_n3A_357 = arith.select %and3A_355, %add3A_356, %rem3A_347 : i32
      %mul3A_358 = arith.constant 128 : i32
      %mul3A_359 = arith.muli %select_n3A_357, %mul3A_358 : i32
      %dma_wait3A_360 = tpu.memref_slice %arg5[%select_n3A_341, %mul3A_359] : memref<26x512xi32, #tpu.memory_space<vmem>> -> memref<1x128xi32, #tpu.memory_space<vmem>>
      %dma_wait3A_361 = tpu.memref_squeeze %dma_wait3A_360 : memref<1x128xi32, #tpu.memory_space<vmem>> -> memref<128xi32, #tpu.memory_space<vmem>>
      %dma_wait3A_362 = arith.constant 0 : i32
      %dma_wait3A_363 = tpu.memref_slice %arg3[%dma_wait3A_362] : memref<1000000xf32, #tpu.memory_space<hbm>> -> memref<1000000xf32, #tpu.memory_space<hbm>>
      tpu.wait_indirect_dma semaphore(%arg18 : memref<!tpu.dma_semaphore, #tpu.memory_space<semaphore_mem>>) src(%dma_wait3A_363 : memref<1000000xf32, #tpu.memory_space<hbm>>) dst(%arg9 : memref<128xf32, #tpu.memory_space<vmem>>)
      %get3A_364 = arith.constant 0 : index
      %get3A_365 = tpu.vector_load %arg9[%get3A_364] {strides = array<i32>} : memref<128xf32, #tpu.memory_space<vmem>>, vector<16xf32>,
      %get3A_366 = vector.shape_cast %get3A_365 : vector<16xf32> to vector<16xf32>
      %get3A_367 = arith.constant 16 : index
      %get3A_368 = tpu.vector_load %arg9[%get3A_367] {strides = array<i32>} : memref<128xf32, #tpu.memory_space<vmem>>, vector<16xf32>,
      %get3A_369 = vector.shape_cast %get3A_368 : vector<16xf32> to vector<16xf32>
      %add3A_370 = arith.addf %get3A_366, %get3A_369 : vector<16xf32>
      %get3A_371 = arith.constant 32 : index
      %get3A_372 = tpu.vector_load %arg9[%get3A_371] {strides = array<i32>} : memref<128xf32, #tpu.memory_space<vmem>>, vector<16xf32>,
      %get3A_373 = vector.shape_cast %get3A_372 : vector<16xf32> to vector<16xf32>
      %add3A_374 = arith.addf %add3A_370, %get3A_373 : vector<16xf32>
      %get3A_375 = arith.constant 48 : index
      %get3A_376 = tpu.vector_load %arg9[%get3A_375] {strides = array<i32>} : memref<128xf32, #tpu.memory_space<vmem>>, vector<16xf32>,
      %get3A_377 = vector.shape_cast %get3A_376 : vector<16xf32> to vector<16xf32>
      %add3A_378 = arith.addf %add3A_374, %get3A_377 : vector<16xf32>
      %get3A_379 = arith.constant 64 : index
      %get3A_380 = tpu.vector_load %arg9[%get3A_379] {strides = array<i32>} : memref<128xf32, #tpu.memory_space<vmem>>, vector<16xf32>,
      %get3A_381 = vector.shape_cast %get3A_380 : vector<16xf32> to vector<16xf32>
      %add3A_382 = arith.addf %add3A_378, %get3A_381 : vector<16xf32>
      %get3A_383 = arith.constant 80 : index
      %get3A_384 = tpu.vector_load %arg9[%get3A_383] {strides = array<i32>} : memref<128xf32, #tpu.memory_space<vmem>>, vector<16xf32>,
      %get3A_385 = vector.shape_cast %get3A_384 : vector<16xf32> to vector<16xf32>
      %add3A_386 = arith.addf %add3A_382, %get3A_385 : vector<16xf32>
      %get3A_387 = arith.constant 96 : index
      %get3A_388 = tpu.vector_load %arg9[%get3A_387] {strides = array<i32>} : memref<128xf32, #tpu.memory_space<vmem>>, vector<16xf32>,
      %get3A_389 = vector.shape_cast %get3A_388 : vector<16xf32> to vector<16xf32>
      %add3A_390 = arith.addf %add3A_386, %get3A_389 : vector<16xf32>
      %get3A_391 = arith.constant 112 : index
      %get3A_392 = tpu.vector_load %arg9[%get3A_391] {strides = array<i32>} : memref<128xf32, #tpu.memory_space<vmem>>, vector<16xf32>,
      %get3A_393 = vector.shape_cast %get3A_392 : vector<16xf32> to vector<16xf32>
      %add3A_394 = arith.addf %add3A_390, %get3A_393 : vector<16xf32>
      %add3A_395 = arith.addf %add3A_306, %add3A_394 : vector<16xf32>
      %add3A_396 = arith.constant 8 : i32
      %add3A_397 = arith.addi %add3A_317, %add3A_396 : i32
      %lt3A_398 = arith.constant 104 : i32
      %lt3A_399 = arith.cmpi slt, %add3A_397, %lt3A_398 : i32
      %convert_element_type3A_400 = arith.extui %lt3A_399 : i1 to i32
      %cond3A_401 = arith.constant 0 : i32
      %cond3A_402 = arith.cmpi ne, %convert_element_type3A_400, %cond3A_401 : i32
      scf.if %cond3A_402 {
        %jit3A_759 = arith.constant 4 : i32
        %div3A_760 = arith.divsi %add3A_397, %jit3A_759 : i32
        %sign3A_761 = arith.constant 0 : i32
        %sign3A_762 = arith.cmpi sgt, %add3A_397, %sign3A_761 : i32
        %sign3A_763 = arith.extui %sign3A_762 : i1 to i32
        %sign3A_764 = arith.constant 0 : i32
        %sign3A_765 = arith.cmpi slt, %add3A_397, %sign3A_764 : i32
        %sign3A_766 = arith.extui %sign3A_765 : i1 to i32
        %sign3A_767 = arith.subi %sign3A_763, %sign3A_766 : i32
        %sign3A_768 = arith.constant 0 : i32
        %sign3A_769 = arith.cmpi sgt, %jit3A_759, %sign3A_768 : i32
        %sign3A_770 = arith.extui %sign3A_769 : i1 to i32
        %sign3A_771 = arith.constant 0 : i32
        %sign3A_772 = arith.cmpi slt, %jit3A_759, %sign3A_771 : i32
        %sign3A_773 = arith.extui %sign3A_772 : i1 to i32
        %sign3A_774 = arith.subi %sign3A_770, %sign3A_773 : i32
        %ne3A_775 = arith.cmpi ne, %sign3A_767, %sign3A_774 : i32
        %rem3A_776 = arith.remsi %add3A_397, %jit3A_759 : i32
        %ne3A_777 = arith.constant 0 : i32
        %ne3A_778 = arith.cmpi ne, %rem3A_776, %ne3A_777 : i32
        %and3A_779 = arith.andi %ne3A_775, %ne3A_778 : i1
        %sub3A_780 = arith.constant 1 : i32
        %sub3A_781 = arith.subi %div3A_760, %sub3A_780 : i32
        %select_n3A_782 = arith.select %and3A_779, %sub3A_781, %div3A_760 : i32
        %jit3A_783 = arith.constant 4 : i32
        %eq3A_784 = arith.constant 0 : i32
        %eq3A_785 = arith.cmpi eq, %jit3A_783, %eq3A_784 : i32
        %jit3A_786 = arith.constant 1 : i32
        %select_n3A_787 = arith.select %eq3A_785, %jit3A_786, %jit3A_783 : i32
        %rem3A_788 = arith.remsi %add3A_397, %select_n3A_787 : i32
        %ne3A_789 = arith.constant 0 : i32
        %ne3A_790 = arith.cmpi ne, %rem3A_788, %ne3A_789 : i32
        %lt3A_791 = arith.constant 0 : i32
        %lt3A_792 = arith.cmpi slt, %rem3A_788, %lt3A_791 : i32
        %lt3A_793 = arith.constant 0 : i32
        %lt3A_794 = arith.cmpi slt, %select_n3A_787, %lt3A_793 : i32
        %ne3A_795 = arith.xori %lt3A_792, %lt3A_794 : i1
        %and3A_796 = arith.andi %ne3A_795, %ne3A_790 : i1
        %add3A_797 = arith.addi %rem3A_788, %select_n3A_787 : i32
        %select_n3A_798 = arith.select %and3A_796, %add3A_797, %rem3A_788 : i32
        %mul3A_799 = arith.constant 128 : i32
        %mul3A_800 = arith.muli %select_n3A_798, %mul3A_799 : i32
        %dma_start3A_801 = tpu.memref_slice %arg5[%select_n3A_782, %mul3A_800] : memref<26x512xi32, #tpu.memory_space<vmem>> -> memref<1x128xi32, #tpu.memory_space<vmem>>
        %dma_start3A_802 = tpu.memref_squeeze %dma_start3A_801 : memref<1x128xi32, #tpu.memory_space<vmem>> -> memref<128xi32, #tpu.memory_space<vmem>>
        %dma_start3A_803 = arith.constant 0 : i32
        %dma_start3A_804 = tpu.memref_slice %arg3[%dma_start3A_803] : memref<1000000xf32, #tpu.memory_space<hbm>> -> memref<1000000xf32, #tpu.memory_space<hbm>>
        tpu.enqueue_indirect_dma source(%dma_start3A_804 : memref<1000000xf32, #tpu.memory_space<hbm>>) target(%arg9 : memref<128xf32, #tpu.memory_space<vmem>>) offsets(%dma_start3A_802 : memref<128xi32, #tpu.memory_space<vmem>>) semaphore(%arg18 : memref<!tpu.dma_semaphore, #tpu.memory_space<semaphore_mem>>)
      } else {
      }
      %mul3A_403 = arith.constant 8 : i32
      %mul3A_404 = arith.muli %scan3A_59, %mul3A_403 : i32
      %add3A_405 = arith.constant 4 : i32
      %add3A_406 = arith.addi %mul3A_404, %add3A_405 : i32
      %jit3A_407 = arith.constant 4 : i32
      %div3A_408 = arith.divsi %add3A_406, %jit3A_407 : i32
      %sign3A_409 = arith.constant 0 : i32
      %sign3A_410 = arith.cmpi sgt, %add3A_406, %sign3A_409 : i32
      %sign3A_411 = arith.extui %sign3A_410 : i1 to i32
      %sign3A_412 = arith.constant 0 : i32
      %sign3A_413 = arith.cmpi slt, %add3A_406, %sign3A_412 : i32
      %sign3A_414 = arith.extui %sign3A_413 : i1 to i32
      %sign3A_415 = arith.subi %sign3A_411, %sign3A_414 : i32
      %sign3A_416 = arith.constant 0 : i32
      %sign3A_417 = arith.cmpi sgt, %jit3A_407, %sign3A_416 : i32
      %sign3A_418 = arith.extui %sign3A_417 : i1 to i32
      %sign3A_419 = arith.constant 0 : i32
      %sign3A_420 = arith.cmpi slt, %jit3A_407, %sign3A_419 : i32
      %sign3A_421 = arith.extui %sign3A_420 : i1 to i32
      %sign3A_422 = arith.subi %sign3A_418, %sign3A_421 : i32
      %ne3A_423 = arith.cmpi ne, %sign3A_415, %sign3A_422 : i32
      %rem3A_424 = arith.remsi %add3A_406, %jit3A_407 : i32
      %ne3A_425 = arith.constant 0 : i32
      %ne3A_426 = arith.cmpi ne, %rem3A_424, %ne3A_425 : i32
      %and3A_427 = arith.andi %ne3A_423, %ne3A_426 : i1
      %sub3A_428 = arith.constant 1 : i32
      %sub3A_429 = arith.subi %div3A_408, %sub3A_428 : i32
      %select_n3A_430 = arith.select %and3A_427, %sub3A_429, %div3A_408 : i32
      %jit3A_431 = arith.constant 4 : i32
      %eq3A_432 = arith.constant 0 : i32
      %eq3A_433 = arith.cmpi eq, %jit3A_431, %eq3A_432 : i32
      %jit3A_434 = arith.constant 1 : i32
      %select_n3A_435 = arith.select %eq3A_433, %jit3A_434, %jit3A_431 : i32
      %rem3A_436 = arith.remsi %add3A_406, %select_n3A_435 : i32
      %ne3A_437 = arith.constant 0 : i32
      %ne3A_438 = arith.cmpi ne, %rem3A_436, %ne3A_437 : i32
      %lt3A_439 = arith.constant 0 : i32
      %lt3A_440 = arith.cmpi slt, %rem3A_436, %lt3A_439 : i32
      %lt3A_441 = arith.constant 0 : i32
      %lt3A_442 = arith.cmpi slt, %select_n3A_435, %lt3A_441 : i32
      %ne3A_443 = arith.xori %lt3A_440, %lt3A_442 : i1
      %and3A_444 = arith.andi %ne3A_443, %ne3A_438 : i1
      %add3A_445 = arith.addi %rem3A_436, %select_n3A_435 : i32
      %select_n3A_446 = arith.select %and3A_444, %add3A_445, %rem3A_436 : i32
      %mul3A_447 = arith.constant 128 : i32
      %mul3A_448 = arith.muli %select_n3A_446, %mul3A_447 : i32
      %dma_wait3A_449 = tpu.memref_slice %arg5[%select_n3A_430, %mul3A_448] : memref<26x512xi32, #tpu.memory_space<vmem>> -> memref<1x128xi32, #tpu.memory_space<vmem>>
      %dma_wait3A_450 = tpu.memref_squeeze %dma_wait3A_449 : memref<1x128xi32, #tpu.memory_space<vmem>> -> memref<128xi32, #tpu.memory_space<vmem>>
      %dma_wait3A_451 = arith.constant 0 : i32
      %dma_wait3A_452 = tpu.memref_slice %arg3[%dma_wait3A_451] : memref<1000000xf32, #tpu.memory_space<hbm>> -> memref<1000000xf32, #tpu.memory_space<hbm>>
      tpu.wait_indirect_dma semaphore(%arg19 : memref<!tpu.dma_semaphore, #tpu.memory_space<semaphore_mem>>) src(%dma_wait3A_452 : memref<1000000xf32, #tpu.memory_space<hbm>>) dst(%arg10 : memref<128xf32, #tpu.memory_space<vmem>>)
      %get3A_453 = arith.constant 0 : index
      %get3A_454 = tpu.vector_load %arg10[%get3A_453] {strides = array<i32>} : memref<128xf32, #tpu.memory_space<vmem>>, vector<16xf32>,
      %get3A_455 = vector.shape_cast %get3A_454 : vector<16xf32> to vector<16xf32>
      %get3A_456 = arith.constant 16 : index
      %get3A_457 = tpu.vector_load %arg10[%get3A_456] {strides = array<i32>} : memref<128xf32, #tpu.memory_space<vmem>>, vector<16xf32>,
      %get3A_458 = vector.shape_cast %get3A_457 : vector<16xf32> to vector<16xf32>
      %add3A_459 = arith.addf %get3A_455, %get3A_458 : vector<16xf32>
      %get3A_460 = arith.constant 32 : index
      %get3A_461 = tpu.vector_load %arg10[%get3A_460] {strides = array<i32>} : memref<128xf32, #tpu.memory_space<vmem>>, vector<16xf32>,
      %get3A_462 = vector.shape_cast %get3A_461 : vector<16xf32> to vector<16xf32>
      %add3A_463 = arith.addf %add3A_459, %get3A_462 : vector<16xf32>
      %get3A_464 = arith.constant 48 : index
      %get3A_465 = tpu.vector_load %arg10[%get3A_464] {strides = array<i32>} : memref<128xf32, #tpu.memory_space<vmem>>, vector<16xf32>,
      %get3A_466 = vector.shape_cast %get3A_465 : vector<16xf32> to vector<16xf32>
      %add3A_467 = arith.addf %add3A_463, %get3A_466 : vector<16xf32>
      %get3A_468 = arith.constant 64 : index
      %get3A_469 = tpu.vector_load %arg10[%get3A_468] {strides = array<i32>} : memref<128xf32, #tpu.memory_space<vmem>>, vector<16xf32>,
      %get3A_470 = vector.shape_cast %get3A_469 : vector<16xf32> to vector<16xf32>
      %add3A_471 = arith.addf %add3A_467, %get3A_470 : vector<16xf32>
      %get3A_472 = arith.constant 80 : index
      %get3A_473 = tpu.vector_load %arg10[%get3A_472] {strides = array<i32>} : memref<128xf32, #tpu.memory_space<vmem>>, vector<16xf32>,
      %get3A_474 = vector.shape_cast %get3A_473 : vector<16xf32> to vector<16xf32>
      %add3A_475 = arith.addf %add3A_471, %get3A_474 : vector<16xf32>
      %get3A_476 = arith.constant 96 : index
      %get3A_477 = tpu.vector_load %arg10[%get3A_476] {strides = array<i32>} : memref<128xf32, #tpu.memory_space<vmem>>, vector<16xf32>,
      %get3A_478 = vector.shape_cast %get3A_477 : vector<16xf32> to vector<16xf32>
      %add3A_479 = arith.addf %add3A_475, %get3A_478 : vector<16xf32>
      %get3A_480 = arith.constant 112 : index
      %get3A_481 = tpu.vector_load %arg10[%get3A_480] {strides = array<i32>} : memref<128xf32, #tpu.memory_space<vmem>>, vector<16xf32>,
      %get3A_482 = vector.shape_cast %get3A_481 : vector<16xf32> to vector<16xf32>
      %add3A_483 = arith.addf %add3A_479, %get3A_482 : vector<16xf32>
      %add3A_484 = arith.addf %add3A_395, %add3A_483 : vector<16xf32>
      %add3A_485 = arith.constant 8 : i32
      %add3A_486 = arith.addi %add3A_406, %add3A_485 : i32
      %lt3A_487 = arith.constant 104 : i32
      %lt3A_488 = arith.cmpi slt, %add3A_486, %lt3A_487 : i32
      %convert_element_type3A_489 = arith.extui %lt3A_488 : i1 to i32
      %cond3A_490 = arith.constant 0 : i32
      %cond3A_491 = arith.cmpi ne, %convert_element_type3A_489, %cond3A_490 : i32
      scf.if %cond3A_491 {
        %jit3A_759 = arith.constant 4 : i32
        %div3A_760 = arith.divsi %add3A_486, %jit3A_759 : i32
        %sign3A_761 = arith.constant 0 : i32
        %sign3A_762 = arith.cmpi sgt, %add3A_486, %sign3A_761 : i32
        %sign3A_763 = arith.extui %sign3A_762 : i1 to i32
        %sign3A_764 = arith.constant 0 : i32
        %sign3A_765 = arith.cmpi slt, %add3A_486, %sign3A_764 : i32
        %sign3A_766 = arith.extui %sign3A_765 : i1 to i32
        %sign3A_767 = arith.subi %sign3A_763, %sign3A_766 : i32
        %sign3A_768 = arith.constant 0 : i32
        %sign3A_769 = arith.cmpi sgt, %jit3A_759, %sign3A_768 : i32
        %sign3A_770 = arith.extui %sign3A_769 : i1 to i32
        %sign3A_771 = arith.constant 0 : i32
        %sign3A_772 = arith.cmpi slt, %jit3A_759, %sign3A_771 : i32
        %sign3A_773 = arith.extui %sign3A_772 : i1 to i32
        %sign3A_774 = arith.subi %sign3A_770, %sign3A_773 : i32
        %ne3A_775 = arith.cmpi ne, %sign3A_767, %sign3A_774 : i32
        %rem3A_776 = arith.remsi %add3A_486, %jit3A_759 : i32
        %ne3A_777 = arith.constant 0 : i32
        %ne3A_778 = arith.cmpi ne, %rem3A_776, %ne3A_777 : i32
        %and3A_779 = arith.andi %ne3A_775, %ne3A_778 : i1
        %sub3A_780 = arith.constant 1 : i32
        %sub3A_781 = arith.subi %div3A_760, %sub3A_780 : i32
        %select_n3A_782 = arith.select %and3A_779, %sub3A_781, %div3A_760 : i32
        %jit3A_783 = arith.constant 4 : i32
        %eq3A_784 = arith.constant 0 : i32
        %eq3A_785 = arith.cmpi eq, %jit3A_783, %eq3A_784 : i32
        %jit3A_786 = arith.constant 1 : i32
        %select_n3A_787 = arith.select %eq3A_785, %jit3A_786, %jit3A_783 : i32
        %rem3A_788 = arith.remsi %add3A_486, %select_n3A_787 : i32
        %ne3A_789 = arith.constant 0 : i32
        %ne3A_790 = arith.cmpi ne, %rem3A_788, %ne3A_789 : i32
        %lt3A_791 = arith.constant 0 : i32
        %lt3A_792 = arith.cmpi slt, %rem3A_788, %lt3A_791 : i32
        %lt3A_793 = arith.constant 0 : i32
        %lt3A_794 = arith.cmpi slt, %select_n3A_787, %lt3A_793 : i32
        %ne3A_795 = arith.xori %lt3A_792, %lt3A_794 : i1
        %and3A_796 = arith.andi %ne3A_795, %ne3A_790 : i1
        %add3A_797 = arith.addi %rem3A_788, %select_n3A_787 : i32
        %select_n3A_798 = arith.select %and3A_796, %add3A_797, %rem3A_788 : i32
        %mul3A_799 = arith.constant 128 : i32
        %mul3A_800 = arith.muli %select_n3A_798, %mul3A_799 : i32
        %dma_start3A_801 = tpu.memref_slice %arg5[%select_n3A_782, %mul3A_800] : memref<26x512xi32, #tpu.memory_space<vmem>> -> memref<1x128xi32, #tpu.memory_space<vmem>>
        %dma_start3A_802 = tpu.memref_squeeze %dma_start3A_801 : memref<1x128xi32, #tpu.memory_space<vmem>> -> memref<128xi32, #tpu.memory_space<vmem>>
        %dma_start3A_803 = arith.constant 0 : i32
        %dma_start3A_804 = tpu.memref_slice %arg3[%dma_start3A_803] : memref<1000000xf32, #tpu.memory_space<hbm>> -> memref<1000000xf32, #tpu.memory_space<hbm>>
        tpu.enqueue_indirect_dma source(%dma_start3A_804 : memref<1000000xf32, #tpu.memory_space<hbm>>) target(%arg10 : memref<128xf32, #tpu.memory_space<vmem>>) offsets(%dma_start3A_802 : memref<128xi32, #tpu.memory_space<vmem>>) semaphore(%arg19 : memref<!tpu.dma_semaphore, #tpu.memory_space<semaphore_mem>>)
      } else {
      }
      %mul3A_492 = arith.constant 8 : i32
      %mul3A_493 = arith.muli %scan3A_59, %mul3A_492 : i32
      %add3A_494 = arith.constant 5 : i32
      %add3A_495 = arith.addi %mul3A_493, %add3A_494 : i32
      %jit3A_496 = arith.constant 4 : i32
      %div3A_497 = arith.divsi %add3A_495, %jit3A_496 : i32
      %sign3A_498 = arith.constant 0 : i32
      %sign3A_499 = arith.cmpi sgt, %add3A_495, %sign3A_498 : i32
      %sign3A_500 = arith.extui %sign3A_499 : i1 to i32
      %sign3A_501 = arith.constant 0 : i32
      %sign3A_502 = arith.cmpi slt, %add3A_495, %sign3A_501 : i32
      %sign3A_503 = arith.extui %sign3A_502 : i1 to i32
      %sign3A_504 = arith.subi %sign3A_500, %sign3A_503 : i32
      %sign3A_505 = arith.constant 0 : i32
      %sign3A_506 = arith.cmpi sgt, %jit3A_496, %sign3A_505 : i32
      %sign3A_507 = arith.extui %sign3A_506 : i1 to i32
      %sign3A_508 = arith.constant 0 : i32
      %sign3A_509 = arith.cmpi slt, %jit3A_496, %sign3A_508 : i32
      %sign3A_510 = arith.extui %sign3A_509 : i1 to i32
      %sign3A_511 = arith.subi %sign3A_507, %sign3A_510 : i32
      %ne3A_512 = arith.cmpi ne, %sign3A_504, %sign3A_511 : i32
      %rem3A_513 = arith.remsi %add3A_495, %jit3A_496 : i32
      %ne3A_514 = arith.constant 0 : i32
      %ne3A_515 = arith.cmpi ne, %rem3A_513, %ne3A_514 : i32
      %and3A_516 = arith.andi %ne3A_512, %ne3A_515 : i1
      %sub3A_517 = arith.constant 1 : i32
      %sub3A_518 = arith.subi %div3A_497, %sub3A_517 : i32
      %select_n3A_519 = arith.select %and3A_516, %sub3A_518, %div3A_497 : i32
      %jit3A_520 = arith.constant 4 : i32
      %eq3A_521 = arith.constant 0 : i32
      %eq3A_522 = arith.cmpi eq, %jit3A_520, %eq3A_521 : i32
      %jit3A_523 = arith.constant 1 : i32
      %select_n3A_524 = arith.select %eq3A_522, %jit3A_523, %jit3A_520 : i32
      %rem3A_525 = arith.remsi %add3A_495, %select_n3A_524 : i32
      %ne3A_526 = arith.constant 0 : i32
      %ne3A_527 = arith.cmpi ne, %rem3A_525, %ne3A_526 : i32
      %lt3A_528 = arith.constant 0 : i32
      %lt3A_529 = arith.cmpi slt, %rem3A_525, %lt3A_528 : i32
      %lt3A_530 = arith.constant 0 : i32
      %lt3A_531 = arith.cmpi slt, %select_n3A_524, %lt3A_530 : i32
      %ne3A_532 = arith.xori %lt3A_529, %lt3A_531 : i1
      %and3A_533 = arith.andi %ne3A_532, %ne3A_527 : i1
      %add3A_534 = arith.addi %rem3A_525, %select_n3A_524 : i32
      %select_n3A_535 = arith.select %and3A_533, %add3A_534, %rem3A_525 : i32
      %mul3A_536 = arith.constant 128 : i32
      %mul3A_537 = arith.muli %select_n3A_535, %mul3A_536 : i32
      %dma_wait3A_538 = tpu.memref_slice %arg5[%select_n3A_519, %mul3A_537] : memref<26x512xi32, #tpu.memory_space<vmem>> -> memref<1x128xi32, #tpu.memory_space<vmem>>
      %dma_wait3A_539 = tpu.memref_squeeze %dma_wait3A_538 : memref<1x128xi32, #tpu.memory_space<vmem>> -> memref<128xi32, #tpu.memory_space<vmem>>
      %dma_wait3A_540 = arith.constant 0 : i32
      %dma_wait3A_541 = tpu.memref_slice %arg3[%dma_wait3A_540] : memref<1000000xf32, #tpu.memory_space<hbm>> -> memref<1000000xf32, #tpu.memory_space<hbm>>
      tpu.wait_indirect_dma semaphore(%arg20 : memref<!tpu.dma_semaphore, #tpu.memory_space<semaphore_mem>>) src(%dma_wait3A_541 : memref<1000000xf32, #tpu.memory_space<hbm>>) dst(%arg11 : memref<128xf32, #tpu.memory_space<vmem>>)
      %get3A_542 = arith.constant 0 : index
      %get3A_543 = tpu.vector_load %arg11[%get3A_542] {strides = array<i32>} : memref<128xf32, #tpu.memory_space<vmem>>, vector<16xf32>,
      %get3A_544 = vector.shape_cast %get3A_543 : vector<16xf32> to vector<16xf32>
      %get3A_545 = arith.constant 16 : index
      %get3A_546 = tpu.vector_load %arg11[%get3A_545] {strides = array<i32>} : memref<128xf32, #tpu.memory_space<vmem>>, vector<16xf32>,
      %get3A_547 = vector.shape_cast %get3A_546 : vector<16xf32> to vector<16xf32>
      %add3A_548 = arith.addf %get3A_544, %get3A_547 : vector<16xf32>
      %get3A_549 = arith.constant 32 : index
      %get3A_550 = tpu.vector_load %arg11[%get3A_549] {strides = array<i32>} : memref<128xf32, #tpu.memory_space<vmem>>, vector<16xf32>,
      %get3A_551 = vector.shape_cast %get3A_550 : vector<16xf32> to vector<16xf32>
      %add3A_552 = arith.addf %add3A_548, %get3A_551 : vector<16xf32>
      %get3A_553 = arith.constant 48 : index
      %get3A_554 = tpu.vector_load %arg11[%get3A_553] {strides = array<i32>} : memref<128xf32, #tpu.memory_space<vmem>>, vector<16xf32>,
      %get3A_555 = vector.shape_cast %get3A_554 : vector<16xf32> to vector<16xf32>
      %add3A_556 = arith.addf %add3A_552, %get3A_555 : vector<16xf32>
      %get3A_557 = arith.constant 64 : index
      %get3A_558 = tpu.vector_load %arg11[%get3A_557] {strides = array<i32>} : memref<128xf32, #tpu.memory_space<vmem>>, vector<16xf32>,
      %get3A_559 = vector.shape_cast %get3A_558 : vector<16xf32> to vector<16xf32>
      %add3A_560 = arith.addf %add3A_556, %get3A_559 : vector<16xf32>
      %get3A_561 = arith.constant 80 : index
      %get3A_562 = tpu.vector_load %arg11[%get3A_561] {strides = array<i32>} : memref<128xf32, #tpu.memory_space<vmem>>, vector<16xf32>,
      %get3A_563 = vector.shape_cast %get3A_562 : vector<16xf32> to vector<16xf32>
      %add3A_564 = arith.addf %add3A_560, %get3A_563 : vector<16xf32>
      %get3A_565 = arith.constant 96 : index
      %get3A_566 = tpu.vector_load %arg11[%get3A_565] {strides = array<i32>} : memref<128xf32, #tpu.memory_space<vmem>>, vector<16xf32>,
      %get3A_567 = vector.shape_cast %get3A_566 : vector<16xf32> to vector<16xf32>
      %add3A_568 = arith.addf %add3A_564, %get3A_567 : vector<16xf32>
      %get3A_569 = arith.constant 112 : index
      %get3A_570 = tpu.vector_load %arg11[%get3A_569] {strides = array<i32>} : memref<128xf32, #tpu.memory_space<vmem>>, vector<16xf32>,
      %get3A_571 = vector.shape_cast %get3A_570 : vector<16xf32> to vector<16xf32>
      %add3A_572 = arith.addf %add3A_568, %get3A_571 : vector<16xf32>
      %add3A_573 = arith.addf %add3A_484, %add3A_572 : vector<16xf32>
      %add3A_574 = arith.constant 8 : i32
      %add3A_575 = arith.addi %add3A_495, %add3A_574 : i32
      %lt3A_576 = arith.constant 104 : i32
      %lt3A_577 = arith.cmpi slt, %add3A_575, %lt3A_576 : i32
      %convert_element_type3A_578 = arith.extui %lt3A_577 : i1 to i32
      %cond3A_579 = arith.constant 0 : i32
      %cond3A_580 = arith.cmpi ne, %convert_element_type3A_578, %cond3A_579 : i32
      scf.if %cond3A_580 {
        %jit3A_759 = arith.constant 4 : i32
        %div3A_760 = arith.divsi %add3A_575, %jit3A_759 : i32
        %sign3A_761 = arith.constant 0 : i32
        %sign3A_762 = arith.cmpi sgt, %add3A_575, %sign3A_761 : i32
        %sign3A_763 = arith.extui %sign3A_762 : i1 to i32
        %sign3A_764 = arith.constant 0 : i32
        %sign3A_765 = arith.cmpi slt, %add3A_575, %sign3A_764 : i32
        %sign3A_766 = arith.extui %sign3A_765 : i1 to i32
        %sign3A_767 = arith.subi %sign3A_763, %sign3A_766 : i32
        %sign3A_768 = arith.constant 0 : i32
        %sign3A_769 = arith.cmpi sgt, %jit3A_759, %sign3A_768 : i32
        %sign3A_770 = arith.extui %sign3A_769 : i1 to i32
        %sign3A_771 = arith.constant 0 : i32
        %sign3A_772 = arith.cmpi slt, %jit3A_759, %sign3A_771 : i32
        %sign3A_773 = arith.extui %sign3A_772 : i1 to i32
        %sign3A_774 = arith.subi %sign3A_770, %sign3A_773 : i32
        %ne3A_775 = arith.cmpi ne, %sign3A_767, %sign3A_774 : i32
        %rem3A_776 = arith.remsi %add3A_575, %jit3A_759 : i32
        %ne3A_777 = arith.constant 0 : i32
        %ne3A_778 = arith.cmpi ne, %rem3A_776, %ne3A_777 : i32
        %and3A_779 = arith.andi %ne3A_775, %ne3A_778 : i1
        %sub3A_780 = arith.constant 1 : i32
        %sub3A_781 = arith.subi %div3A_760, %sub3A_780 : i32
        %select_n3A_782 = arith.select %and3A_779, %sub3A_781, %div3A_760 : i32
        %jit3A_783 = arith.constant 4 : i32
        %eq3A_784 = arith.constant 0 : i32
        %eq3A_785 = arith.cmpi eq, %jit3A_783, %eq3A_784 : i32
        %jit3A_786 = arith.constant 1 : i32
        %select_n3A_787 = arith.select %eq3A_785, %jit3A_786, %jit3A_783 : i32
        %rem3A_788 = arith.remsi %add3A_575, %select_n3A_787 : i32
        %ne3A_789 = arith.constant 0 : i32
        %ne3A_790 = arith.cmpi ne, %rem3A_788, %ne3A_789 : i32
        %lt3A_791 = arith.constant 0 : i32
        %lt3A_792 = arith.cmpi slt, %rem3A_788, %lt3A_791 : i32
        %lt3A_793 = arith.constant 0 : i32
        %lt3A_794 = arith.cmpi slt, %select_n3A_787, %lt3A_793 : i32
        %ne3A_795 = arith.xori %lt3A_792, %lt3A_794 : i1
        %and3A_796 = arith.andi %ne3A_795, %ne3A_790 : i1
        %add3A_797 = arith.addi %rem3A_788, %select_n3A_787 : i32
        %select_n3A_798 = arith.select %and3A_796, %add3A_797, %rem3A_788 : i32
        %mul3A_799 = arith.constant 128 : i32
        %mul3A_800 = arith.muli %select_n3A_798, %mul3A_799 : i32
        %dma_start3A_801 = tpu.memref_slice %arg5[%select_n3A_782, %mul3A_800] : memref<26x512xi32, #tpu.memory_space<vmem>> -> memref<1x128xi32, #tpu.memory_space<vmem>>
        %dma_start3A_802 = tpu.memref_squeeze %dma_start3A_801 : memref<1x128xi32, #tpu.memory_space<vmem>> -> memref<128xi32, #tpu.memory_space<vmem>>
        %dma_start3A_803 = arith.constant 0 : i32
        %dma_start3A_804 = tpu.memref_slice %arg3[%dma_start3A_803] : memref<1000000xf32, #tpu.memory_space<hbm>> -> memref<1000000xf32, #tpu.memory_space<hbm>>
        tpu.enqueue_indirect_dma source(%dma_start3A_804 : memref<1000000xf32, #tpu.memory_space<hbm>>) target(%arg11 : memref<128xf32, #tpu.memory_space<vmem>>) offsets(%dma_start3A_802 : memref<128xi32, #tpu.memory_space<vmem>>) semaphore(%arg20 : memref<!tpu.dma_semaphore, #tpu.memory_space<semaphore_mem>>)
      } else {
      }
      %mul3A_581 = arith.constant 8 : i32
      %mul3A_582 = arith.muli %scan3A_59, %mul3A_581 : i32
      %add3A_583 = arith.constant 6 : i32
      %add3A_584 = arith.addi %mul3A_582, %add3A_583 : i32
      %jit3A_585 = arith.constant 4 : i32
      %div3A_586 = arith.divsi %add3A_584, %jit3A_585 : i32
      %sign3A_587 = arith.constant 0 : i32
      %sign3A_588 = arith.cmpi sgt, %add3A_584, %sign3A_587 : i32
      %sign3A_589 = arith.extui %sign3A_588 : i1 to i32
      %sign3A_590 = arith.constant 0 : i32
      %sign3A_591 = arith.cmpi slt, %add3A_584, %sign3A_590 : i32
      %sign3A_592 = arith.extui %sign3A_591 : i1 to i32
      %sign3A_593 = arith.subi %sign3A_589, %sign3A_592 : i32
      %sign3A_594 = arith.constant 0 : i32
      %sign3A_595 = arith.cmpi sgt, %jit3A_585, %sign3A_594 : i32
      %sign3A_596 = arith.extui %sign3A_595 : i1 to i32
      %sign3A_597 = arith.constant 0 : i32
      %sign3A_598 = arith.cmpi slt, %jit3A_585, %sign3A_597 : i32
      %sign3A_599 = arith.extui %sign3A_598 : i1 to i32
      %sign3A_600 = arith.subi %sign3A_596, %sign3A_599 : i32
      %ne3A_601 = arith.cmpi ne, %sign3A_593, %sign3A_600 : i32
      %rem3A_602 = arith.remsi %add3A_584, %jit3A_585 : i32
      %ne3A_603 = arith.constant 0 : i32
      %ne3A_604 = arith.cmpi ne, %rem3A_602, %ne3A_603 : i32
      %and3A_605 = arith.andi %ne3A_601, %ne3A_604 : i1
      %sub3A_606 = arith.constant 1 : i32
      %sub3A_607 = arith.subi %div3A_586, %sub3A_606 : i32
      %select_n3A_608 = arith.select %and3A_605, %sub3A_607, %div3A_586 : i32
      %jit3A_609 = arith.constant 4 : i32
      %eq3A_610 = arith.constant 0 : i32
      %eq3A_611 = arith.cmpi eq, %jit3A_609, %eq3A_610 : i32
      %jit3A_612 = arith.constant 1 : i32
      %select_n3A_613 = arith.select %eq3A_611, %jit3A_612, %jit3A_609 : i32
      %rem3A_614 = arith.remsi %add3A_584, %select_n3A_613 : i32
      %ne3A_615 = arith.constant 0 : i32
      %ne3A_616 = arith.cmpi ne, %rem3A_614, %ne3A_615 : i32
      %lt3A_617 = arith.constant 0 : i32
      %lt3A_618 = arith.cmpi slt, %rem3A_614, %lt3A_617 : i32
      %lt3A_619 = arith.constant 0 : i32
      %lt3A_620 = arith.cmpi slt, %select_n3A_613, %lt3A_619 : i32
      %ne3A_621 = arith.xori %lt3A_618, %lt3A_620 : i1
      %and3A_622 = arith.andi %ne3A_621, %ne3A_616 : i1
      %add3A_623 = arith.addi %rem3A_614, %select_n3A_613 : i32
      %select_n3A_624 = arith.select %and3A_622, %add3A_623, %rem3A_614 : i32
      %mul3A_625 = arith.constant 128 : i32
      %mul3A_626 = arith.muli %select_n3A_624, %mul3A_625 : i32
      %dma_wait3A_627 = tpu.memref_slice %arg5[%select_n3A_608, %mul3A_626] : memref<26x512xi32, #tpu.memory_space<vmem>> -> memref<1x128xi32, #tpu.memory_space<vmem>>
      %dma_wait3A_628 = tpu.memref_squeeze %dma_wait3A_627 : memref<1x128xi32, #tpu.memory_space<vmem>> -> memref<128xi32, #tpu.memory_space<vmem>>
      %dma_wait3A_629 = arith.constant 0 : i32
      %dma_wait3A_630 = tpu.memref_slice %arg3[%dma_wait3A_629] : memref<1000000xf32, #tpu.memory_space<hbm>> -> memref<1000000xf32, #tpu.memory_space<hbm>>
      tpu.wait_indirect_dma semaphore(%arg21 : memref<!tpu.dma_semaphore, #tpu.memory_space<semaphore_mem>>) src(%dma_wait3A_630 : memref<1000000xf32, #tpu.memory_space<hbm>>) dst(%arg12 : memref<128xf32, #tpu.memory_space<vmem>>)
      %get3A_631 = arith.constant 0 : index
      %get3A_632 = tpu.vector_load %arg12[%get3A_631] {strides = array<i32>} : memref<128xf32, #tpu.memory_space<vmem>>, vector<16xf32>,
      %get3A_633 = vector.shape_cast %get3A_632 : vector<16xf32> to vector<16xf32>
      %get3A_634 = arith.constant 16 : index
      %get3A_635 = tpu.vector_load %arg12[%get3A_634] {strides = array<i32>} : memref<128xf32, #tpu.memory_space<vmem>>, vector<16xf32>,
      %get3A_636 = vector.shape_cast %get3A_635 : vector<16xf32> to vector<16xf32>
      %add3A_637 = arith.addf %get3A_633, %get3A_636 : vector<16xf32>
      %get3A_638 = arith.constant 32 : index
      %get3A_639 = tpu.vector_load %arg12[%get3A_638] {strides = array<i32>} : memref<128xf32, #tpu.memory_space<vmem>>, vector<16xf32>,
      %get3A_640 = vector.shape_cast %get3A_639 : vector<16xf32> to vector<16xf32>
      %add3A_641 = arith.addf %add3A_637, %get3A_640 : vector<16xf32>
      %get3A_642 = arith.constant 48 : index
      %get3A_643 = tpu.vector_load %arg12[%get3A_642] {strides = array<i32>} : memref<128xf32, #tpu.memory_space<vmem>>, vector<16xf32>,
      %get3A_644 = vector.shape_cast %get3A_643 : vector<16xf32> to vector<16xf32>
      %add3A_645 = arith.addf %add3A_641, %get3A_644 : vector<16xf32>
      %get3A_646 = arith.constant 64 : index
      %get3A_647 = tpu.vector_load %arg12[%get3A_646] {strides = array<i32>} : memref<128xf32, #tpu.memory_space<vmem>>, vector<16xf32>,
      %get3A_648 = vector.shape_cast %get3A_647 : vector<16xf32> to vector<16xf32>
      %add3A_649 = arith.addf %add3A_645, %get3A_648 : vector<16xf32>
      %get3A_650 = arith.constant 80 : index
      %get3A_651 = tpu.vector_load %arg12[%get3A_650] {strides = array<i32>} : memref<128xf32, #tpu.memory_space<vmem>>, vector<16xf32>,
      %get3A_652 = vector.shape_cast %get3A_651 : vector<16xf32> to vector<16xf32>
      %add3A_653 = arith.addf %add3A_649, %get3A_652 : vector<16xf32>
      %get3A_654 = arith.constant 96 : index
      %get3A_655 = tpu.vector_load %arg12[%get3A_654] {strides = array<i32>} : memref<128xf32, #tpu.memory_space<vmem>>, vector<16xf32>,
      %get3A_656 = vector.shape_cast %get3A_655 : vector<16xf32> to vector<16xf32>
      %add3A_657 = arith.addf %add3A_653, %get3A_656 : vector<16xf32>
      %get3A_658 = arith.constant 112 : index
      %get3A_659 = tpu.vector_load %arg12[%get3A_658] {strides = array<i32>} : memref<128xf32, #tpu.memory_space<vmem>>, vector<16xf32>,
      %get3A_660 = vector.shape_cast %get3A_659 : vector<16xf32> to vector<16xf32>
      %add3A_661 = arith.addf %add3A_657, %get3A_660 : vector<16xf32>
      %add3A_662 = arith.addf %add3A_573, %add3A_661 : vector<16xf32>
      %add3A_663 = arith.constant 8 : i32
      %add3A_664 = arith.addi %add3A_584, %add3A_663 : i32
      %lt3A_665 = arith.constant 104 : i32
      %lt3A_666 = arith.cmpi slt, %add3A_664, %lt3A_665 : i32
      %convert_element_type3A_667 = arith.extui %lt3A_666 : i1 to i32
      %cond3A_668 = arith.constant 0 : i32
      %cond3A_669 = arith.cmpi ne, %convert_element_type3A_667, %cond3A_668 : i32
      scf.if %cond3A_669 {
        %jit3A_759 = arith.constant 4 : i32
        %div3A_760 = arith.divsi %add3A_664, %jit3A_759 : i32
        %sign3A_761 = arith.constant 0 : i32
        %sign3A_762 = arith.cmpi sgt, %add3A_664, %sign3A_761 : i32
        %sign3A_763 = arith.extui %sign3A_762 : i1 to i32
        %sign3A_764 = arith.constant 0 : i32
        %sign3A_765 = arith.cmpi slt, %add3A_664, %sign3A_764 : i32
        %sign3A_766 = arith.extui %sign3A_765 : i1 to i32
        %sign3A_767 = arith.subi %sign3A_763, %sign3A_766 : i32
        %sign3A_768 = arith.constant 0 : i32
        %sign3A_769 = arith.cmpi sgt, %jit3A_759, %sign3A_768 : i32
        %sign3A_770 = arith.extui %sign3A_769 : i1 to i32
        %sign3A_771 = arith.constant 0 : i32
        %sign3A_772 = arith.cmpi slt, %jit3A_759, %sign3A_771 : i32
        %sign3A_773 = arith.extui %sign3A_772 : i1 to i32
        %sign3A_774 = arith.subi %sign3A_770, %sign3A_773 : i32
        %ne3A_775 = arith.cmpi ne, %sign3A_767, %sign3A_774 : i32
        %rem3A_776 = arith.remsi %add3A_664, %jit3A_759 : i32
        %ne3A_777 = arith.constant 0 : i32
        %ne3A_778 = arith.cmpi ne, %rem3A_776, %ne3A_777 : i32
        %and3A_779 = arith.andi %ne3A_775, %ne3A_778 : i1
        %sub3A_780 = arith.constant 1 : i32
        %sub3A_781 = arith.subi %div3A_760, %sub3A_780 : i32
        %select_n3A_782 = arith.select %and3A_779, %sub3A_781, %div3A_760 : i32
        %jit3A_783 = arith.constant 4 : i32
        %eq3A_784 = arith.constant 0 : i32
        %eq3A_785 = arith.cmpi eq, %jit3A_783, %eq3A_784 : i32
        %jit3A_786 = arith.constant 1 : i32
        %select_n3A_787 = arith.select %eq3A_785, %jit3A_786, %jit3A_783 : i32
        %rem3A_788 = arith.remsi %add3A_664, %select_n3A_787 : i32
        %ne3A_789 = arith.constant 0 : i32
        %ne3A_790 = arith.cmpi ne, %rem3A_788, %ne3A_789 : i32
        %lt3A_791 = arith.constant 0 : i32
        %lt3A_792 = arith.cmpi slt, %rem3A_788, %lt3A_791 : i32
        %lt3A_793 = arith.constant 0 : i32
        %lt3A_794 = arith.cmpi slt, %select_n3A_787, %lt3A_793 : i32
        %ne3A_795 = arith.xori %lt3A_792, %lt3A_794 : i1
        %and3A_796 = arith.andi %ne3A_795, %ne3A_790 : i1
        %add3A_797 = arith.addi %rem3A_788, %select_n3A_787 : i32
        %select_n3A_798 = arith.select %and3A_796, %add3A_797, %rem3A_788 : i32
        %mul3A_799 = arith.constant 128 : i32
        %mul3A_800 = arith.muli %select_n3A_798, %mul3A_799 : i32
        %dma_start3A_801 = tpu.memref_slice %arg5[%select_n3A_782, %mul3A_800] : memref<26x512xi32, #tpu.memory_space<vmem>> -> memref<1x128xi32, #tpu.memory_space<vmem>>
        %dma_start3A_802 = tpu.memref_squeeze %dma_start3A_801 : memref<1x128xi32, #tpu.memory_space<vmem>> -> memref<128xi32, #tpu.memory_space<vmem>>
        %dma_start3A_803 = arith.constant 0 : i32
        %dma_start3A_804 = tpu.memref_slice %arg3[%dma_start3A_803] : memref<1000000xf32, #tpu.memory_space<hbm>> -> memref<1000000xf32, #tpu.memory_space<hbm>>
        tpu.enqueue_indirect_dma source(%dma_start3A_804 : memref<1000000xf32, #tpu.memory_space<hbm>>) target(%arg12 : memref<128xf32, #tpu.memory_space<vmem>>) offsets(%dma_start3A_802 : memref<128xi32, #tpu.memory_space<vmem>>) semaphore(%arg21 : memref<!tpu.dma_semaphore, #tpu.memory_space<semaphore_mem>>)
      } else {
      }
      %mul3A_670 = arith.constant 8 : i32
      %mul3A_671 = arith.muli %scan3A_59, %mul3A_670 : i32
      %add3A_672 = arith.constant 7 : i32
      %add3A_673 = arith.addi %mul3A_671, %add3A_672 : i32
      %jit3A_674 = arith.constant 4 : i32
      %div3A_675 = arith.divsi %add3A_673, %jit3A_674 : i32
      %sign3A_676 = arith.constant 0 : i32
      %sign3A_677 = arith.cmpi sgt, %add3A_673, %sign3A_676 : i32
      %sign3A_678 = arith.extui %sign3A_677 : i1 to i32
      %sign3A_679 = arith.constant 0 : i32
      %sign3A_680 = arith.cmpi slt, %add3A_673, %sign3A_679 : i32
      %sign3A_681 = arith.extui %sign3A_680 : i1 to i32
      %sign3A_682 = arith.subi %sign3A_678, %sign3A_681 : i32
      %sign3A_683 = arith.constant 0 : i32
      %sign3A_684 = arith.cmpi sgt, %jit3A_674, %sign3A_683 : i32
      %sign3A_685 = arith.extui %sign3A_684 : i1 to i32
      %sign3A_686 = arith.constant 0 : i32
      %sign3A_687 = arith.cmpi slt, %jit3A_674, %sign3A_686 : i32
      %sign3A_688 = arith.extui %sign3A_687 : i1 to i32
      %sign3A_689 = arith.subi %sign3A_685, %sign3A_688 : i32
      %ne3A_690 = arith.cmpi ne, %sign3A_682, %sign3A_689 : i32
      %rem3A_691 = arith.remsi %add3A_673, %jit3A_674 : i32
      %ne3A_692 = arith.constant 0 : i32
      %ne3A_693 = arith.cmpi ne, %rem3A_691, %ne3A_692 : i32
      %and3A_694 = arith.andi %ne3A_690, %ne3A_693 : i1
      %sub3A_695 = arith.constant 1 : i32
      %sub3A_696 = arith.subi %div3A_675, %sub3A_695 : i32
      %select_n3A_697 = arith.select %and3A_694, %sub3A_696, %div3A_675 : i32
      %jit3A_698 = arith.constant 4 : i32
      %eq3A_699 = arith.constant 0 : i32
      %eq3A_700 = arith.cmpi eq, %jit3A_698, %eq3A_699 : i32
      %jit3A_701 = arith.constant 1 : i32
      %select_n3A_702 = arith.select %eq3A_700, %jit3A_701, %jit3A_698 : i32
      %rem3A_703 = arith.remsi %add3A_673, %select_n3A_702 : i32
      %ne3A_704 = arith.constant 0 : i32
      %ne3A_705 = arith.cmpi ne, %rem3A_703, %ne3A_704 : i32
      %lt3A_706 = arith.constant 0 : i32
      %lt3A_707 = arith.cmpi slt, %rem3A_703, %lt3A_706 : i32
      %lt3A_708 = arith.constant 0 : i32
      %lt3A_709 = arith.cmpi slt, %select_n3A_702, %lt3A_708 : i32
      %ne3A_710 = arith.xori %lt3A_707, %lt3A_709 : i1
      %and3A_711 = arith.andi %ne3A_710, %ne3A_705 : i1
      %add3A_712 = arith.addi %rem3A_703, %select_n3A_702 : i32
      %select_n3A_713 = arith.select %and3A_711, %add3A_712, %rem3A_703 : i32
      %mul3A_714 = arith.constant 128 : i32
      %mul3A_715 = arith.muli %select_n3A_713, %mul3A_714 : i32
      %dma_wait3A_716 = tpu.memref_slice %arg5[%select_n3A_697, %mul3A_715] : memref<26x512xi32, #tpu.memory_space<vmem>> -> memref<1x128xi32, #tpu.memory_space<vmem>>
      %dma_wait3A_717 = tpu.memref_squeeze %dma_wait3A_716 : memref<1x128xi32, #tpu.memory_space<vmem>> -> memref<128xi32, #tpu.memory_space<vmem>>
      %dma_wait3A_718 = arith.constant 0 : i32
      %dma_wait3A_719 = tpu.memref_slice %arg3[%dma_wait3A_718] : memref<1000000xf32, #tpu.memory_space<hbm>> -> memref<1000000xf32, #tpu.memory_space<hbm>>
      tpu.wait_indirect_dma semaphore(%arg22 : memref<!tpu.dma_semaphore, #tpu.memory_space<semaphore_mem>>) src(%dma_wait3A_719 : memref<1000000xf32, #tpu.memory_space<hbm>>) dst(%arg13 : memref<128xf32, #tpu.memory_space<vmem>>)
      %get3A_720 = arith.constant 0 : index
      %get3A_721 = tpu.vector_load %arg13[%get3A_720] {strides = array<i32>} : memref<128xf32, #tpu.memory_space<vmem>>, vector<16xf32>,
      %get3A_722 = vector.shape_cast %get3A_721 : vector<16xf32> to vector<16xf32>
      %get3A_723 = arith.constant 16 : index
      %get3A_724 = tpu.vector_load %arg13[%get3A_723] {strides = array<i32>} : memref<128xf32, #tpu.memory_space<vmem>>, vector<16xf32>,
      %get3A_725 = vector.shape_cast %get3A_724 : vector<16xf32> to vector<16xf32>
      %add3A_726 = arith.addf %get3A_722, %get3A_725 : vector<16xf32>
      %get3A_727 = arith.constant 32 : index
      %get3A_728 = tpu.vector_load %arg13[%get3A_727] {strides = array<i32>} : memref<128xf32, #tpu.memory_space<vmem>>, vector<16xf32>,
      %get3A_729 = vector.shape_cast %get3A_728 : vector<16xf32> to vector<16xf32>
      %add3A_730 = arith.addf %add3A_726, %get3A_729 : vector<16xf32>
      %get3A_731 = arith.constant 48 : index
      %get3A_732 = tpu.vector_load %arg13[%get3A_731] {strides = array<i32>} : memref<128xf32, #tpu.memory_space<vmem>>, vector<16xf32>,
      %get3A_733 = vector.shape_cast %get3A_732 : vector<16xf32> to vector<16xf32>
      %add3A_734 = arith.addf %add3A_730, %get3A_733 : vector<16xf32>
      %get3A_735 = arith.constant 64 : index
      %get3A_736 = tpu.vector_load %arg13[%get3A_735] {strides = array<i32>} : memref<128xf32, #tpu.memory_space<vmem>>, vector<16xf32>,
      %get3A_737 = vector.shape_cast %get3A_736 : vector<16xf32> to vector<16xf32>
      %add3A_738 = arith.addf %add3A_734, %get3A_737 : vector<16xf32>
      %get3A_739 = arith.constant 80 : index
      %get3A_740 = tpu.vector_load %arg13[%get3A_739] {strides = array<i32>} : memref<128xf32, #tpu.memory_space<vmem>>, vector<16xf32>,
      %get3A_741 = vector.shape_cast %get3A_740 : vector<16xf32> to vector<16xf32>
      %add3A_742 = arith.addf %add3A_738, %get3A_741 : vector<16xf32>
      %get3A_743 = arith.constant 96 : index
      %get3A_744 = tpu.vector_load %arg13[%get3A_743] {strides = array<i32>} : memref<128xf32, #tpu.memory_space<vmem>>, vector<16xf32>,
      %get3A_745 = vector.shape_cast %get3A_744 : vector<16xf32> to vector<16xf32>
      %add3A_746 = arith.addf %add3A_742, %get3A_745 : vector<16xf32>
      %get3A_747 = arith.constant 112 : index
      %get3A_748 = tpu.vector_load %arg13[%get3A_747] {strides = array<i32>} : memref<128xf32, #tpu.memory_space<vmem>>, vector<16xf32>,
      %get3A_749 = vector.shape_cast %get3A_748 : vector<16xf32> to vector<16xf32>
      %add3A_750 = arith.addf %add3A_746, %get3A_749 : vector<16xf32>
      %add3A_751 = arith.addf %add3A_662, %add3A_750 : vector<16xf32>
      %add3A_752 = arith.constant 8 : i32
      %add3A_753 = arith.addi %add3A_673, %add3A_752 : i32
      %lt3A_754 = arith.constant 104 : i32
      %lt3A_755 = arith.cmpi slt, %add3A_753, %lt3A_754 : i32
      %convert_element_type3A_756 = arith.extui %lt3A_755 : i1 to i32
      %cond3A_757 = arith.constant 0 : i32
      %cond3A_758 = arith.cmpi ne, %convert_element_type3A_756, %cond3A_757 : i32
      scf.if %cond3A_758 {
        %jit3A_759 = arith.constant 4 : i32
        %div3A_760 = arith.divsi %add3A_753, %jit3A_759 : i32
        %sign3A_761 = arith.constant 0 : i32
        %sign3A_762 = arith.cmpi sgt, %add3A_753, %sign3A_761 : i32
        %sign3A_763 = arith.extui %sign3A_762 : i1 to i32
        %sign3A_764 = arith.constant 0 : i32
        %sign3A_765 = arith.cmpi slt, %add3A_753, %sign3A_764 : i32
        %sign3A_766 = arith.extui %sign3A_765 : i1 to i32
        %sign3A_767 = arith.subi %sign3A_763, %sign3A_766 : i32
        %sign3A_768 = arith.constant 0 : i32
        %sign3A_769 = arith.cmpi sgt, %jit3A_759, %sign3A_768 : i32
        %sign3A_770 = arith.extui %sign3A_769 : i1 to i32
        %sign3A_771 = arith.constant 0 : i32
        %sign3A_772 = arith.cmpi slt, %jit3A_759, %sign3A_771 : i32
        %sign3A_773 = arith.extui %sign3A_772 : i1 to i32
        %sign3A_774 = arith.subi %sign3A_770, %sign3A_773 : i32
        %ne3A_775 = arith.cmpi ne, %sign3A_767, %sign3A_774 : i32
        %rem3A_776 = arith.remsi %add3A_753, %jit3A_759 : i32
        %ne3A_777 = arith.constant 0 : i32
        %ne3A_778 = arith.cmpi ne, %rem3A_776, %ne3A_777 : i32
        %and3A_779 = arith.andi %ne3A_775, %ne3A_778 : i1
        %sub3A_780 = arith.constant 1 : i32
        %sub3A_781 = arith.subi %div3A_760, %sub3A_780 : i32
        %select_n3A_782 = arith.select %and3A_779, %sub3A_781, %div3A_760 : i32
        %jit3A_783 = arith.constant 4 : i32
        %eq3A_784 = arith.constant 0 : i32
        %eq3A_785 = arith.cmpi eq, %jit3A_783, %eq3A_784 : i32
        %jit3A_786 = arith.constant 1 : i32
        %select_n3A_787 = arith.select %eq3A_785, %jit3A_786, %jit3A_783 : i32
        %rem3A_788 = arith.remsi %add3A_753, %select_n3A_787 : i32
        %ne3A_789 = arith.constant 0 : i32
        %ne3A_790 = arith.cmpi ne, %rem3A_788, %ne3A_789 : i32
        %lt3A_791 = arith.constant 0 : i32
        %lt3A_792 = arith.cmpi slt, %rem3A_788, %lt3A_791 : i32
        %lt3A_793 = arith.constant 0 : i32
        %lt3A_794 = arith.cmpi slt, %select_n3A_787, %lt3A_793 : i32
        %ne3A_795 = arith.xori %lt3A_792, %lt3A_794 : i1
        %and3A_796 = arith.andi %ne3A_795, %ne3A_790 : i1
        %add3A_797 = arith.addi %rem3A_788, %select_n3A_787 : i32
        %select_n3A_798 = arith.select %and3A_796, %add3A_797, %rem3A_788 : i32
        %mul3A_799 = arith.constant 128 : i32
        %mul3A_800 = arith.muli %select_n3A_798, %mul3A_799 : i32
        %dma_start3A_801 = tpu.memref_slice %arg5[%select_n3A_782, %mul3A_800] : memref<26x512xi32, #tpu.memory_space<vmem>> -> memref<1x128xi32, #tpu.memory_space<vmem>>
        %dma_start3A_802 = tpu.memref_squeeze %dma_start3A_801 : memref<1x128xi32, #tpu.memory_space<vmem>> -> memref<128xi32, #tpu.memory_space<vmem>>
        %dma_start3A_803 = arith.constant 0 : i32
        %dma_start3A_804 = tpu.memref_slice %arg3[%dma_start3A_803] : memref<1000000xf32, #tpu.memory_space<hbm>> -> memref<1000000xf32, #tpu.memory_space<hbm>>
        tpu.enqueue_indirect_dma source(%dma_start3A_804 : memref<1000000xf32, #tpu.memory_space<hbm>>) target(%arg13 : memref<128xf32, #tpu.memory_space<vmem>>) offsets(%dma_start3A_802 : memref<128xi32, #tpu.memory_space<vmem>>) semaphore(%arg22 : memref<!tpu.dma_semaphore, #tpu.memory_space<semaphore_mem>>)
      } else {
      }
      scf.yield %add3A_751 : vector<16xf32>
    }
    %scan3A_55 = arith.constant 13 : i32
    %swap3A = arith.constant 0 : index
    %swap3A_56 = tpu.vector_load %arg14[%swap3A] {strides = array<i32>} : memref<16xf32, #tpu.memory_space<vmem>>, vector<16xf32>,
    %swap3A_57 = vector.shape_cast %swap3A_56 : vector<16xf32> to vector<16xf32>
    %swap3A_58 = vector.shape_cast %scan3A_54 : vector<16xf32> to vector<16xf32>
    tpu.vector_store %arg14[%swap3A], %swap3A_58 {strides = array<i32>} : memref<16xf32, #tpu.memory_space<vmem>>, vector<16xf32>,
    "tpu.region"() ({
      %run_scoped3A = tpu.sem_alloc : memref<!tpu.dma_semaphore, #tpu.memory_space<semaphore_mem>>
      %dma_start3A_59 = arith.constant 0 : i32
      %dma_start3A_60 = tpu.memref_slice %arg4[%add3A, %dma_start3A_59] : memref<32x16xf32, #tpu.memory_space<hbm>> -> memref<1x16xf32, #tpu.memory_space<hbm>>
      %dma_start3A_61 = tpu.memref_squeeze %dma_start3A_60 : memref<1x16xf32, #tpu.memory_space<hbm>> -> memref<16xf32, #tpu.memory_space<hbm>>
      %dma_start3A_62 = arith.constant 0 : i32
      %dma_start3A_63 = tpu.memref_slice %arg4[%add3A, %dma_start3A_62] : memref<32x16xf32, #tpu.memory_space<hbm>> -> memref<1x16xf32, #tpu.memory_space<hbm>>
      %dma_start3A_64 = tpu.memref_squeeze %dma_start3A_63 : memref<1x16xf32, #tpu.memory_space<hbm>> -> memref<16xf32, #tpu.memory_space<hbm>>
      tpu.enqueue_dma source(%arg14 : memref<16xf32, #tpu.memory_space<vmem>>) target(%dma_start3A_64 : memref<16xf32, #tpu.memory_space<hbm>>) target_semaphore(%run_scoped3A : memref<!tpu.dma_semaphore, #tpu.memory_space<semaphore_mem>>)
      %dma_wait3A = arith.constant 0 : i32
      %dma_wait3A_65 = tpu.memref_slice %arg4[%add3A, %dma_wait3A] : memref<32x16xf32, #tpu.memory_space<hbm>> -> memref<1x16xf32, #tpu.memory_space<hbm>>
      %dma_wait3A_66 = tpu.memref_squeeze %dma_wait3A_65 : memref<1x16xf32, #tpu.memory_space<hbm>> -> memref<16xf32, #tpu.memory_space<hbm>>
      %dma_wait3A_67 = arith.constant 0 : i32
      %dma_wait3A_68 = tpu.memref_slice %arg4[%add3A, %dma_wait3A_67] : memref<32x16xf32, #tpu.memory_space<hbm>> -> memref<1x16xf32, #tpu.memory_space<hbm>>
      %dma_wait3A_69 = tpu.memref_squeeze %dma_wait3A_68 : memref<1x16xf32, #tpu.memory_space<hbm>> -> memref<16xf32, #tpu.memory_space<hbm>>
      tpu.wait_dma2 semaphore(%run_scoped3A : memref<!tpu.dma_semaphore, #tpu.memory_space<semaphore_mem>>) src(%arg14 : memref<16xf32, #tpu.memory_space<vmem>>) dst(%dma_wait3A_69 : memref<16xf32, #tpu.memory_space<hbm>>)
      tpu.yield
    }) : () -> ()
    return
  }
}

module attributes {stable_mosaic.version = 14 : i64} {
  func.func @body(%arg0: i32, %arg1: memref<32x65536xf32, #tpu.memory_space<vmem>>, %arg2: memref<65536xf32, #tpu.memory_space<vmem>>) attributes {dimension_semantics = [#tpu.dimension_semantics<arbitrary>], iteration_bounds = array<i64: 16>, scalar_prefetch = 0 : i64, scratch_operands = 0 : i64, tpu.core_type = #tpu.core_type<tc>, window_params = [{transform_indices = @transform_0, window_bounds = array<i64: 32, 65536>}, {transform_indices = @transform_1, window_bounds = array<i64: 65536>}]} {
    %get3A = arith.constant 0 : index
    %get3A_0 = arith.constant 0 : index
    %get3A_1 = vector.load %arg1[%get3A, %get3A_0] : memref<32x65536xf32, #tpu.memory_space<vmem>>, vector<32x65536xf32>
    %reduce_sum3A = arith.constant dense<0.000000e+00> : vector<65536xf32>
    %reduce_sum3A_2 = vector.multi_reduction <add>, %get3A_1, %reduce_sum3A [0] : vector<32x65536xf32> to vector<65536xf32>
    %swap3A = arith.constant 0 : index
    %swap3A_3 = vector.load %arg2[%swap3A] : memref<65536xf32, #tpu.memory_space<vmem>>, vector<65536xf32>
    tpu.vector_store %arg2[%swap3A], %reduce_sum3A_2 {strides = array<i32>} : memref<65536xf32, #tpu.memory_space<vmem>>, vector<65536xf32>,
    return
  }
  func.func @transform_0(%arg0: i32) -> (i32, i32) {
    %c0_i32 = arith.constant 0 : i32
    %c0_i32_0 = arith.constant 0 : i32
    return %c0_i32, %arg0 : i32, i32
  }
  func.func @transform_1(%arg0: i32) -> i32 {
    %c0_i32 = arith.constant 0 : i32
    return %arg0 : i32
  }
}

</mosaic_0001>

<sc_bundles>
// kernel: kernel.4.cloned.1.call-start
scs
__scs_entry_jumppad:
0x0: {  	(pc) =	sbr.rel $0x88, $3  }
0x1: {  	(tag) =	ssettag $0x0;
	lr =	simm.s32 $0x1  }
0x2: {  	[smem:$0x3F9F] =	sst lr;
	_ =	strace $0xD0000000  }
0x3: {  	_ = 	snop  }
0x4: {  	_ = 	snop  }
0x5: {  	_ = 	snop  }
0x6: {  	_ = 	snop  }
0x7: {  	_ = 	snop  }
__scs_overlays_trampoline_lowered:
0x8: {  	[smem:$0x3FAE] =	sst s0  }
0x9: {  	[smem:$0x3FAF] =	sst s1  }
0xa: {  	[smem:$0x3FB0] =	sst s2  }
0xb: {  	[smem:$0x3FB1] =	sst s3  }
0xc: {  	[smem:$0x3FB2] =	sst s4  }
0xd: {  	[smem:$0x3FB3] =	sst s5  }
0xe: {  	[smem:$0x3FB4] =	sst s6  }
0xf: {  	[smem:$0x3FB5] =	sst s7  }
0x10: {  	[smem:$0x3FB6] =	sst s8  }
0x11: {  	[smem:$0x3FB7] =	sst s9;
	s0 =	simm.s32 @!p0 $0x0  }
0x12: {  	s1 =	sld [smem:$0x3F9D];
	s0 =	simm.s32 @p0 $0x1  }
0x13: {  	[smem:$0x3FB8] =	sst s0;
	s0 =	simm.s32 @!p1 $0x0  }
0x14: {  	s2 =	sld [smem:$0x3F9C];
	s0 =	simm.s32 @p1 $0x1  }
0x15: {  	[smem:$0x3FB9] =	sst s0;
	s0 =	simm.s32 @!p2 $0x0  }
0x16: {  	s3 =	sld [smem:$0x3FDB];
	s0 =	simm.s32 @p2 $0x1  }
0x17: {  	s4 =	simm.s32 $0x1BF5;
	[smem:$0x3FBB] =	sst s0  }
0x18: {  	s0 =	sld [smem:$0x3F9E];
	_ =	swait.ge [sflag:s4], $0x0  }
0x19: {  	s7 =	sld [smem:$0x3F9F]  }
0x1a: {  	s8 =	sadd.s32 $0xFFFFE003, lr  }
0x1b: {  	s9 =	sadd.s32 $0xFFFFFEF7, lr;
	s5 =	simm.s32 $0xFFFFFFFF;
	p2 =	slt.u32 s8, $0xFFFFF086  }
0x1c: {  	p1 =	slt.u32 s9, $0xF7A;
	s5 =	simm.s32 @!p2 $0x0  }
0x1d: {  	s5 =	simm.s32 @p1 $0x1;
	p0 =	seq.s32 s7, s2  }
0x1e: {  	s7 =	smul.u32 @!p0 $0xF7A, s2;
	p2 =	seq.s32 @!p0 s5, $0x0  }
0x1f: {  	s9 =	smul.u32 $0xF7A, s1;
	s8 =	simm.s32 @!p0 $0x1BF5;
	p2 =	por !p2, p0  }
0x20: {  	[sflag:s8] =	ssyncset.s32 @!p0 $0xFFFFF086;
	s6 =	sadd.s32 @!p0 s3, s7;
	s7 =	simm.s32 @!p0 $0x108  }
0x21: {  	s3 =	sadd.s32 s3, s9;
	s6 =	sadd.s32 @!p0 $0x88, s6;
	s7 =	simm.s32 @p2 $0x1082  }
0x22: {  	[simem:s7], [sflag:s8] =	dma.local @!p0 [hbm:s6], $0xF7A  }
0x23: {  	s9 =	sor.u32 $0xD0000000, s2;
	s6 =	simm.s32 $0x108;
	_ =	swait.ge @!p0 [sflag:s8], $0x0  }
0x24: {  	s3 =	sadd.s32 $0x88, s3;
	s6 =	simm.s32 @!p1 $0x1082;
	[sflag:s4] =	ssyncset.s32 $0xFFFFF086  }
0x25: {  	[simem:s6], [sflag:s4] =	dma.local [hbm:s3], $0xF7A  }
0x26: {  	[smem:$0x3F9F] =	sst s1;
	(tag) =	ssettag s2;
	_ =	strace s9  }
0x27: {  	s1 =	sld [smem:$0x3FAF]  }
0x28: {  	s2 =	sld [smem:$0x3FB0]  }
0x29: {  	s4 =	sld [smem:$0x3FB2]  }
0x2a: {  	p0 =	seq.s32 s5, $0x0;
	s5 =	sld [smem:$0x3FB3]  }
0x2b: {  	s6 =	sld [smem:$0x3FB4]  }
0x2c: {  	s7 =	sld [smem:$0x3FB5]  }
0x2d: {  	s3 =	simm.s32 $0x108;
	s8 =	sld [smem:$0x3FB6]  }
0x2e: {  	s3 =	simm.s32 @!p0 $0x1082;
	s9 =	sld [smem:$0x3FB7]  }
0x2f: {  	lr =	sadd.s32 s0, s3;
	s0 =	sld [smem:$0x3FAE]  }
0x30: {  	s3 =	sld [smem:$0x3FB1]  }
0x31: {  	[smem:$0x3FBA] =	sst s10  }
0x32: {  	s10 =	sld [smem:$0x3FB8];
	_ =	sdelay $0x3  }
0x33: {  	p0 =	seq.s32 s10, $0x1;
	s10 =	sld [smem:$0x3FBA];
	_ =	sdelay $0x3  }
0x34: {  	[smem:$0x3FBA] =	sst s10  }
0x35: {  	s10 =	sld [smem:$0x3FB9];
	_ =	sdelay $0x3  }
0x36: {  	p1 =	seq.s32 s10, $0x1;
	s10 =	sld [smem:$0x3FBA];
	_ =	sdelay $0x3  }
0x37: {  	[smem:$0x3FBA] =	sst s10  }
0x38: {  	s10 =	sld [smem:$0x3FBB]  }
0x39: {  	_ = 	snop;
	(pc) =	sbr.ind lr, $3  }
0x3a: {  	_ = 	snop  }
0x3b: {  	_ = 	snop  }
0x3c: {  	p2 =	seq.s32 s10, $0x1;
	s10 =	sld [smem:$0x3FBA]  }
0x3d: {  	_ =	shalt  }
0x3e: {  	_ =	shalt  }
0x3f: {  	_ =	shalt  }
0x40: {  	_ =	shalt  }
0x41: {  	_ =	shalt  }
0x42: {  	_ =	shalt  }
0x43: {  	_ =	shalt  }
0x44: {  	_ =	shalt  }
0x45: {  	_ =	shalt  }
0x46: {  	_ =	shalt  }
0x47: {  	_ =	shalt  }
0x48: {  	_ =	shalt  }
0x49: {  	_ =	shalt  }
0x4a: {  	_ =	shalt  }
0x4b: {  	_ =	shalt  }
0x4c: {  	_ =	shalt  }
0x4d: {  	_ =	shalt  }
0x4e: {  	_ =	shalt  }
0x4f: {  	_ =	shalt  }
0x50: {  	_ =	shalt  }
0x51: {  	_ =	shalt  }
0x52: {  	_ =	shalt  }
0x53: {  	_ =	shalt  }
0x54: {  	_ =	shalt  }
0x55: {  	_ =	shalt  }
0x56: {  	_ =	shalt  }
0x57: {  	_ =	shalt  }
0x58: {  	_ =	shalt  }
0x59: {  	_ =	shalt  }
0x5a: {  	_ =	shalt  }
0x5b: {  	_ =	shalt  }
0x5c: {  	_ =	shalt  }
0x5d: {  	_ =	shalt  }
0x5e: {  	_ =	shalt  }
0x5f: {  	_ =	shalt  }
0x60: {  	_ =	shalt  }
0x61: {  	_ =	shalt  }
0x62: {  	_ =	shalt  }
0x63: {  	_ =	shalt  }
0x64: {  	_ =	shalt  }
0x65: {  	_ =	shalt  }
0x66: {  	_ =	shalt  }
0x67: {  	_ =	shalt  }
0x68: {  	_ =	shalt  }
0x69: {  	_ =	shalt  }
0x6a: {  	_ =	shalt  }
0x6b: {  	_ =	shalt  }
0x6c: {  	_ =	shalt  }
0x6d: {  	_ =	shalt  }
0x6e: {  	_ =	shalt  }
0x6f: {  	_ =	shalt  }
0x70: {  	_ =	shalt  }
0x71: {  	_ =	shalt  }
0x72: {  	_ =	shalt  }
0x73: {  	_ =	shalt  }
0x74: {  	_ =	shalt  }
0x75: {  	_ =	shalt  }
0x76: {  	_ =	shalt  }
0x77: {  	_ =	shalt  }
0x78: {  	_ =	shalt  }
0x79: {  	_ =	shalt  }
0x7a: {  	_ =	shalt  }
0x7b: {  	_ =	shalt  }
0x7c: {  	_ =	shalt  }
0x7d: {  	_ =	shalt  }
0x7e: {  	_ =	shalt  }
0x7f: {  	_ =	shalt  }
0x80: {  	_ =	shalt  }
0x81: {  	_ =	shalt  }
0x82: {  	_ =	shalt  }
0x83: {  	_ =	shalt  }
0x84: {  	_ =	shalt  }
0x85: {  	_ =	shalt  }
0x86: {  	_ =	shalt  }
0x87: {  	_ =	shalt  }
.Lfunc_end0:
.L_simem_size_0:
called_computation_lowered:
.L_overlay_start_0:
0x88: {  	s2 =	sld [smem:$0x3FD9]  }
0x89: {  	s3 =	sld [smem:$0x3FFE];
	_ =	sdelay $0x1  }
0x8a: {  	s1 =	srdreg.scid  }
0x8b: {  	s0 =	sand.u32 $0x1, s1  }
0x8c: {  	s17 =	sshll.u32 s0, $0xA;
	s2 =	sadd.s32 s3, s2  }
0x8d: {  	s2 =	sadd.s32 s2, s17  }
0x8e: {  	[smem:$0x3FC6] =	sst s2  }
0x8f: {  	_ = 	snop  }
0x90: {  	s2 =	sld [smem:$0x3FC9];
	(tm) =	ssettm $0x1  }
0x91: {  	s18 =	sld [smem:$0x3FFB];
	_ =	sdelay $0x3  }
0x92: {  	_ =	strace s18  }
0x93: {  	s3 =	sld [smem:$0x3FFC];
	_ =	sdelay $0x3  }
0x94: {  	_ =	strace s3  }
0x95: {  	s3 =	sld [smem:$0x3FFD];
	_ =	sdelay $0x3  }
0x96: {  	_ =	strace s3  }
0x97: {  	_ =	strace $0x8FFFFFFF  }
0x98: {  	s19 =	sld [smem:$0x3FDB];
	_ =	sdelay $0x1  }
0x99: {  	s4 =	simm.s32 $_scs_section_size  }
0x9a: {  	s5 =	simm.s32 $_size__tile_overlayer_lowered;
	s6 =	simm.s32 $_tile_overlayer_lowered  }
0x9b: {  	s22 =	simm.s32 $0x1BFF;
	s21 =	sshll.u32 s6, $0x1;
	s3 =	sadd.s32 s4, s19  }
0x9c: {  	s7 =	simm.s32 $0x0;
	s20 =	sshll.u32 s5, $0x1;
	s5 =	sadd.s32 s21, s3  }
0x9d: {  	[timem:s7], [sflag:s22] =	dma.local [hbm:s5], s20  }
0x9e: {  	_ =	swait.ge [sflag:s22], s20  }
0x9f: {  	s4 =	ssub.s32 $0x0, s20;
	[sflag:s22] =	ssyncset.done $0x0  }
0xa0: {  	[sflag:s22] =	ssyncadd.s32 s4;
	_ =	sdelay $0x1  }
0xa1: {  	s23 =	simm.s32 $0x1B8B  }
0xa2: {  	_ =	swait.ge [sflag:s23], $0x1  }
0xa3: {  	[sflag:s23] =	ssyncset.done $0x0  }
0xa4: {  	s25 =	simm.s32 $0x1B8E;
	s24 =	sld [smem:$0x3FFE];
	[sflag:s23] =	ssyncadd.s32 $0xFFFFFFFF  }
0xa5: {  	s26 =	simm.s32 $execute0_lowered;
	[smem:$0x3FD2] =	sst s25  }
0xa6: {  	s5 =	sshll.u32 s26, $0x1;
	_ =	strace $0x80000046;
	[dreg:$0x1] =	wrdreg $0xFFFFFFFF  }
0xa7: {  	s28 =	simm.s32 $_size_execute0_lowered;
	s3 =	sadd.s32 s3, s5;
	[dreg:$0x0] =	wrdreg $0x0  }
0xa8: {  	s5 =	sshll.u32 s28, $0x1;
	[dreg:$0x2] =	wrdreg s3  }
0xa9: {  	[dreg:$0x3] =	wrdreg s5  }
0xaa: {  	[dreg:$0x4] =	wrdreg $0xC0  }
0xab: {  	_ =	task [dreg:s7], $0x5FFFF  }
0xac: {  	[dreg:$0x1] =	wrdreg $0xFFFFFFFF  }
0xad: {  	[dreg:$0x0] =	wrdreg $0x60  }
0xae: {  	[dreg:$0x2] =	wrdreg s2  }
0xaf: {  	[dreg:$0x3] =	wrdreg s24  }
0xb0: {  	[dreg:$0x4] =	wrdreg $0x9  }
0xb1: {  	_ =	task.clear_ibuf [dreg:s7], $0x5FFFF;
	_ =	strace $0x90000046  }
0xb2: {  	s29 =	simm.s32 $0x9;
	_ =	strace $0x80000048  }
0xb3: {  	_ =	swait.ge [sflag:s29], $0x1  }
0xb4: {  	[sflag:s29] =	ssyncadd.s32 $0xFFFFFFFF  }
0xb5: {  	_ =	strace $0x90000048  }
0xb6: {  	_ =	sfence  }
0xb7: {  	s30 =	sld [smem:$0x0];
	_ =	sdelay $0x2  }
0xb8: {  	s31 =	sshll.u32 s1, $0xD;
	s1 =	sshrl.u32 s1, $0x2  }
0xb9: {  	s3 =	sand.u32 $0x4000, s31;
	s1 =	sadd.s32 s1, s30  }
0xba: {  	s0 =	sor.u32 s3, s0;
	s1 =	sshll.u32 s1, $0x11  }
0xbb: {  	s0 =	sor.u32 s1, s0  }
0xbc: {  	s0 =	sadd.s32 $0x8F2B, s0  }
0xbd: {  	[sflag:s0] =	ssyncadd.remote.s32 $0x1  }
0xbe: {  	_ =	sfence.sel $0xFFFF  }
0xbf: {  	[dreg:$0x0] =	wrdreg $0xFFFFFFFF;
	(pc) =	sbr.abs _section_cstart, $3  }
0xc0: {  	[dreg:$0x1] =	wrdreg $0xFFFFFFFF  }
0xc1: {  	_ =	task.clear_ibuf [dreg:s7], $0x2FFFF;
	_ =	strace $0x9FFFFFFF  }
0xc2: {  	(tm) =	ssettm $0x7FFFFFFF  }
0xc3: {  	_ =	shalt  }
tec
execute0_lowered:
.L_overlay_start_1:
0x0: {  	(tag) =	ssettag $0x1  }
0x1: {  	s0 =	rddreg [dreg:$0x0]  }
0x2: {  	s1 =	rddreg [dreg:$0x1]  }
0x3: {  	s2 =	simm.s32 $0x0;
	s3 =	srdreg.scid;
	s5 =	stileid.u32  }
0x4: {  	s9 =	simm.s32 $0x9;
	s10 =	simm.s32 $0x80;
	s17 =	simm.s32 $0x4180  }
0x5: {  	s18 =	simm.s32 $0x4200;
	s19 =	simm.s32 $0x480;
	s20 =	simm.s32 $0x4280  }
0x6: {  	s21 =	simm.s32 $0x880;
	s22 =	simm.s32 $0x4300;
	s23 =	simm.s32 $0xC80  }
0x7: {  	s24 =	simm.s32 $0x4380;
	s25 =	simm.s32 $0x1;
	s28 =	simm.s32 $0x3  }
0x8: {  	s29 =	simm.s32 $0x4;
	s30 =	simm.s32 $0x5;
	s31 =	simm.s32 $0x6  }
0x9: {  	s8 =	simm.s32 $0x0;
	[smem:$0x7FF] =	sst s2;
	s4 =	sand.u32 $0x1, s3  }
0xa: {  	s5 =	sshll.u32 s5, $0x1;
	s3 =	sadd.s32 $0x200, s1;
	_ =	strace $0x80000047  }
.Ltmp0:
0xb: {  	s5 =	sor.u32 s4, s5;
	s4 =	ssub.s32 $0x2, s4;
	(pc) =	sbr.rel .LBB2_1-.Ltmp0, $4  }
0xc: {  	s6 =	sshll.u32 s5, $0x4;
	s7 =	sshrl.u32 s4, $0x1;
	s5 =	sshll.u32 s5, $0x9  }
0xd: {  	s1 =	sadd.s32 s6, s1;
	s26 =	ssub.s32 s4, s7;
	s4 =	sadd.s32 s0, s5  }
0xe: {  	s0 =	simm.s32 $0x7;
	s7 =	simm.s32 $0x4400;
	s5 =	sadd.s32 $0x1EC00, s1  }
0xf: {  	s6 =	smax.u32 s26, $0x1;
	s26 =	simm.s32 $0x2;
	s1 =	simm.s32 $0x8  }
.LBB2_4:
0x10: {  	s8 =	sadd.s32 $0x1, s8  }
0x11: {  	p0 =	sne.s32 s8, s6  }
.Ltmp1:
0x12: {  	[tilespmem:$0x4400] =	vst v0;
	(pc) =	sbr.rel @!p0 .LBB2_5-.Ltmp1, $4  }
0x13: {  	[hbm4b:s5+s2] =	stream.linear.scatter [tilespmem:s7], [sflag:$0x9], $0x80, $0x38;
	[tilespmem:$0x4480] =	vst v63  }
0x14: {  	_ =	swait.ge [sflag:s9], $0x80  }
0x15: {  	[sflag:s9] =	ssyncset.done $0x0  }
0x16: {  	[sflag:s9] =	ssyncadd.s32 $0xFFFFFF80  }
.LBB2_1:
0x17: {  	s11 =	simm.s32 $0x1000;
	s12 =	simm.s32 $0x20000  }
0x18: {  	[tilespmem:s2], [sflag:$0x9] =	stream.strided.gather [hbm4b:s4+s11], $0x4000, s12, s11, $0x38;
	[tilespmem:$0x4480] =	vst v63  }
0x19: {  	_ =	swait.ge [sflag:s9], $0x4000  }
0x1a: {  	[sflag:s9] =	ssyncset.done $0x0  }
0x1b: {  	s16 =	simm.s32 $0x4000;
	[sflag:s9] =	ssyncadd.s32 $0xFFFFC000  }
0x1c: {  	[tilespmem:s16], [sflag:$0x1] =	stream.indirect.gather [hbm4b:s3+s10], $0x1, s2, s10, $0xb8;
	[tilespmem:$0x4480] =	vst v63  }
0x1d: {  	s13 =	simm.s32 $0x4080;
	s12 =	simm.s32 $0x400  }
0x1e: {  	[tilespmem:s13], [sflag:$0x2] =	stream.indirect.gather [hbm4b:s3+s10], $0x1, s12, s10, $0xb8;
	[tilespmem:$0x4480] =	vst v63  }
0x1f: {  	s14 =	simm.s32 $0x800;
	s15 =	simm.s32 $0x4100  }
0x20: {  	[tilespmem:s15], [sflag:$0x3] =	stream.indirect.gather [hbm4b:s3+s10], $0x1, s14, s10, $0xb8;
	[tilespmem:$0x4480] =	vst v63  }
0x21: {  	s16 =	simm.s32 $0xC00  }
0x22: {  	[tilespmem:s17], [sflag:$0x4] =	stream.indirect.gather [hbm4b:s3+s10], $0x1, s16, s10, $0xb8;
	[tilespmem:$0x4480] =	vst v63  }
0x23: {  	_ = 	snop  }
0x24: {  	[tilespmem:s18], [sflag:$0x5] =	stream.indirect.gather [hbm4b:s3+s10], $0x1, s10, s10, $0xb8;
	[tilespmem:$0x4480] =	vst v63  }
0x25: {  	_ = 	snop  }
0x26: {  	[tilespmem:s20], [sflag:$0x6] =	stream.indirect.gather [hbm4b:s3+s10], $0x1, s19, s10, $0xb8;
	[tilespmem:$0x4480] =	vst v63  }
0x27: {  	_ = 	snop  }
0x28: {  	[tilespmem:s22], [sflag:$0x7] =	stream.indirect.gather [hbm4b:s3+s10], $0x1, s21, s10, $0xb8;
	[tilespmem:$0x4480] =	vst v63  }
0x29: {  	s11 =	simm.s32 $0x600;
	s12 =	simm.s32 $0x180  }
0x2a: {  	v0 =	vimm.f32 $0.0e+00;
	[tilespmem:s24], [sflag:$0x8] =	stream.indirect.gather [hbm4b:s3+s10], $0x1, s23, s10, $0xb8;
	[tilespmem:$0x4480] =	vst v63  }
.LBB2_2:
0x2b: {  	_ =	swait.ge [sflag:s25], $0x80  }
0x2c: {  	[sflag:s25] =	ssyncset.done $0x0  }
0x2d: {  	[sflag:s25] =	ssyncadd.s32 $0xFFFFFF80  }
0x2e: {  	v1 =	vld [tilespmem:$0x4000]  }
0x2f: {  	v2 =	vld [tilespmem:$0x4010]  }
0x30: {  	v3 =	vld [tilespmem:$0x4020]  }
0x31: {  	p0 =	seq.s32 s12, $0xD80;
	v4 =	vld [tilespmem:$0x4030]  }
0x32: {  	s13 =	sadd.s32 @!p0 $0xFFFFFE00, s11;
	s14 =	sadd.s32 @!p0 $0xFFFFFF80, s12;
	v5 =	vld [tilespmem:$0x4040]  }
0x33: {  	s13 =	sand.u32 @!p0 $0x7000, s13;
	s14 =	sand.u32 @!p0 $0x300, s14;
	v6 =	vld [tilespmem:$0x4050]  }
0x34: {  	s15 =	simm.s32 @!p0 $0x4000;
	v7 =	vld [tilespmem:$0x4060];
	s14 =	sor.u32 @!p0 s14, s13;
	s13 =	simm.s32 @!p0 $0x80  }
0x35: {  	v8 =	vld [tilespmem:$0x4070];
	[tilespmem:s15], [sflag:$0x1] =	stream.indirect.gather @!p0 [hbm4b:s3+s13], $0x1, s14, s13, $0xb8  }
0x36: {  	_ =	swait.ge [sflag:s26], $0x80  }
0x37: {  	[sflag:s26] =	ssyncset.done $0x0  }
0x38: {  	[sflag:s26] =	ssyncadd.s32 $0xFFFFFF80  }
0x39: {  	v9 =	vld [tilespmem:$0x4080]  }
0x3a: {  	v10 =	vld [tilespmem:$0x4090]  }
0x3b: {  	v11 =	vld [tilespmem:$0x40A0]  }
0x3c: {  	v12 =	vld [tilespmem:$0x40B0]  }
0x3d: {  	v13 =	vld [tilespmem:$0x40C0]  }
0x3e: {  	v14 =	vld [tilespmem:$0x40D0]  }
0x3f: {  	s16 =	simm.s32 @!p0 $0x4080;
	s15 =	sor.u32 @!p0 $0x400, s14;
	v15 =	vld [tilespmem:$0x40E0]  }
0x40: {  	v16 =	vld [tilespmem:$0x40F0];
	[tilespmem:s16], [sflag:$0x2] =	stream.indirect.gather @!p0 [hbm4b:s3+s13], $0x1, s15, s13, $0xb8  }
0x41: {  	_ =	swait.ge [sflag:s28], $0x80  }
0x42: {  	[sflag:s28] =	ssyncset.done $0x0  }
0x43: {  	[sflag:s28] =	ssyncadd.s32 $0xFFFFFF80  }
0x44: {  	v17 =	vld [tilespmem:$0x4100]  }
0x45: {  	v18 =	vld [tilespmem:$0x4110]  }
0x46: {  	v19 =	vld [tilespmem:$0x4120]  }
0x47: {  	v20 =	vld [tilespmem:$0x4130]  }
0x48: {  	v21 =	vld [tilespmem:$0x4140]  }
0x49: {  	v22 =	vld [tilespmem:$0x4150]  }
0x4a: {  	s15 =	sor.u32 @!p0 $0x800, s14;
	s16 =	simm.s32 @!p0 $0x4100;
	v23 =	vld [tilespmem:$0x4160]  }
0x4b: {  	v24 =	vld [tilespmem:$0x4170];
	[tilespmem:s16], [sflag:$0x3] =	stream.indirect.gather @!p0 [hbm4b:s3+s13], $0x1, s15, s13, $0xb8  }
0x4c: {  	_ =	swait.ge [sflag:s29], $0x80  }
0x4d: {  	[sflag:s29] =	ssyncset.done $0x0  }
0x4e: {  	[sflag:s29] =	ssyncadd.s32 $0xFFFFFF80  }
0x4f: {  	v25 =	vld [tilespmem:$0x4180]  }
0x50: {  	v26 =	vld [tilespmem:$0x4190]  }
0x51: {  	v27 =	vld [tilespmem:$0x41A0]  }
0x52: {  	v28 =	vld [tilespmem:$0x41B0]  }
0x53: {  	v29 =	vld [tilespmem:$0x41C0]  }
0x54: {  	v30 =	vld [tilespmem:$0x41D0]  }
0x55: {  	s14 =	sor.u32 @!p0 $0xC00, s14;
	s15 =	simm.s32 @!p0 $0x4180;
	v31 =	vld [tilespmem:$0x41E0]  }
0x56: {  	v32 =	vld [tilespmem:$0x41F0];
	[tilespmem:s15], [sflag:$0x4] =	stream.indirect.gather @!p0 [hbm4b:s3+s13], $0x1, s14, s13, $0xb8  }
0x57: {  	_ =	swait.ge [sflag:s30], $0x80  }
0x58: {  	[sflag:s30] =	ssyncset.done $0x0  }
0x59: {  	[sflag:s30] =	ssyncadd.s32 $0xFFFFFF80  }
0x5a: {  	v33 =	vld [tilespmem:$0x4200]  }
0x5b: {  	v34 =	vld [tilespmem:$0x4210]  }
0x5c: {  	v35 =	vld [tilespmem:$0x4220]  }
0x5d: {  	v36 =	vld [tilespmem:$0x4230]  }
0x5e: {  	v37 =	vld [tilespmem:$0x4240]  }
0x5f: {  	s14 =	sand.u32 @!p0 $0x7000, s11;
	s15 =	sand.u32 @!p0 $0x380, s12;
	v38 =	vld [tilespmem:$0x4250]  }
0x60: {  	s14 =	sor.u32 @!p0 s15, s14;
	s15 =	simm.s32 @!p0 $0x4200;
	v39 =	vld [tilespmem:$0x4260]  }
0x61: {  	v40 =	vld [tilespmem:$0x4270];
	[tilespmem:s15], [sflag:$0x5] =	stream.indirect.gather @!p0 [hbm4b:s3+s13], $0x1, s14, s13, $0xb8  }
0x62: {  	_ =	swait.ge [sflag:s31], $0x80  }
0x63: {  	[sflag:s31] =	ssyncset.done $0x0  }
0x64: {  	[sflag:s31] =	ssyncadd.s32 $0xFFFFFF80  }
0x65: {  	v41 =	vld [tilespmem:$0x4280]  }
0x66: {  	v42 =	vld [tilespmem:$0x4290]  }
0x67: {  	v43 =	vld [tilespmem:$0x42A0]  }
0x68: {  	v44 =	vld [tilespmem:$0x42B0]  }
0x69: {  	v45 =	vld [tilespmem:$0x42C0]  }
0x6a: {  	v1 =	vadd.f32 v2, v1;
	v46 =	vld [tilespmem:$0x42D0]  }
0x6b: {  	s16 =	simm.s32 @!p0 $0x4280;
	s15 =	sor.u32 @!p0 $0x400, s14;
	v47 =	vld [tilespmem:$0x42E0]  }
0x6c: {  	v1 =	vadd.f32 v3, v1;
	v3 =	vadd.f32 v10, v9;
	v2 =	vld [tilespmem:$0x42F0];
	[tilespmem:s16], [sflag:$0x6] =	stream.indirect.gather @!p0 [hbm4b:s3+s13], $0x1, s15, s13, $0xb8  }
0x6d: {  	_ =	swait.ge [sflag:s0], $0x80  }
0x6e: {  	v1 =	vadd.f32 v4, v1;
	v3 =	vadd.f32 v11, v3;
	[sflag:s0] =	ssyncset.done $0x0  }
0x6f: {  	v62 =	vadd.f32 v18, v17;
	[sflag:s0] =	ssyncadd.s32 $0xFFFFFF80  }
0x70: {  	v1 =	vadd.f32 v5, v1;
	v3 =	vadd.f32 v12, v3;
	v63 =	vld [tilespmem:$0x4300]  }
0x71: {  	v4 =	vadd.f32 v19, v62;
	v19 =	vadd.f32 v26, v25;
	v18 =	vld [tilespmem:$0x4310]  }
0x72: {  	v1 =	vadd.f32 v6, v1;
	v3 =	vadd.f32 v13, v3;
	v25 =	vld [tilespmem:$0x4320]  }
0x73: {  	v4 =	vadd.f32 v20, v4;
	v10 =	vadd.f32 v27, v19;
	v26 =	vld [tilespmem:$0x4330]  }
0x74: {  	v1 =	vadd.f32 v7, v1;
	v3 =	vadd.f32 v14, v3;
	v27 =	vld [tilespmem:$0x4340]  }
0x75: {  	v4 =	vadd.f32 v21, v4;
	v10 =	vadd.f32 v28, v10;
	v48 =	vld [tilespmem:$0x4350]  }
0x76: {  	v1 =	vadd.f32 v8, v1;
	s14 =	sor.u32 @!p0 $0x800, s14;
	v3 =	vadd.f32 v15, v3;
	s15 =	simm.s32 @!p0 $0x4300;
	v49 =	vld [tilespmem:$0x4360]  }
0x77: {  	v4 =	vadd.f32 v22, v4;
	v10 =	vadd.f32 v29, v10;
	v50 =	vld [tilespmem:$0x4370];
	[tilespmem:s15], [sflag:$0x7] =	stream.indirect.gather @!p0 [hbm4b:s3+s13], $0x1, s14, s13, $0xb8  }
0x78: {  	v0 =	vadd.f32 v1, v0;
	v1 =	vadd.f32 v16, v3;
	_ =	swait.ge [sflag:s1], $0x80  }
0x79: {  	v3 =	vadd.f32 v23, v4;
	v51 =	vadd.f32 v30, v10;
	[sflag:s1] =	ssyncset.done $0x0  }
0x7a: {  	v0 =	vadd.f32 v1, v0;
	v1 =	vadd.f32 v34, v33;
	[sflag:s1] =	ssyncadd.s32 $0xFFFFFF80  }
0x7b: {  	v3 =	vadd.f32 v24, v3;
	v4 =	vadd.f32 v31, v51;
	v52 =	vld [tilespmem:$0x4380]  }
0x7c: {  	v1 =	vadd.f32 v35, v1;
	v53 =	vadd.f32 v42, v41;
	v54 =	vld [tilespmem:$0x4390]  }
0x7d: {  	v0 =	vadd.f32 v3, v0;
	v3 =	vadd.f32 v32, v4  }
0x7e: {  	v1 =	vadd.f32 v36, v1;
	v55 =	vadd.f32 v43, v53;
	v56 =	vld [tilespmem:$0x43A0]  }
0x7f: {  	v0 =	vadd.f32 v3, v0;
	v3 =	vadd.f32 v18, v63  }
0x80: {  	v57 =	vld [tilespmem:$0x43B0];
	v1 =	vadd.f32 v37, v1;
	v4 =	vadd.f32 v44, v55  }
0x81: {  	v3 =	vadd.f32 v25, v3;
	v58 =	vadd.f32 v54, v52  }
0x82: {  	v59 =	vld [tilespmem:$0x43C0];
	v1 =	vadd.f32 v38, v1;
	v4 =	vadd.f32 v45, v4  }
0x83: {  	v3 =	vadd.f32 v26, v3;
	v60 =	vadd.f32 v56, v58  }
0x84: {  	v61 =	vld [tilespmem:$0x43D0];
	v1 =	vadd.f32 v39, v1;
	v4 =	vadd.f32 v46, v4  }
0x85: {  	v3 =	vadd.f32 v27, v3;
	v5 =	vadd.f32 v57, v60  }
0x86: {  	v62 =	vld [tilespmem:$0x43E0];
	v1 =	vadd.f32 v40, v1;
	v4 =	vadd.f32 v47, v4  }
0x87: {  	v3 =	vadd.f32 v48, v3;
	v5 =	vadd.f32 v59, v5  }
0x88: {  	v0 =	vadd.f32 v1, v0;
	v1 =	vadd.f32 v2, v4;
	v2 =	vld [tilespmem:$0x43F0]  }
0x89: {  	v3 =	vadd.f32 v49, v3;
	v63 =	vadd.f32 v61, v5  }
0x8a: {  	v0 =	vadd.f32 v1, v0  }
.Ltmp2:
0x8b: {  	v1 =	vadd.f32 v50, v3;
	v3 =	vadd.f32 v62, v63;
	(pc) =	sbr.rel @p0 .LBB2_4-.Ltmp2, $3  }
0x8c: {  	_ = 	snop  }
0x8d: {  	v0 =	vadd.f32 v1, v0;
	v1 =	vadd.f32 v2, v3;
	_ =	sdelay $0x1  }
0x8e: {  	v0 =	vadd.f32 v1, v0  }
.Ltmp3:
0x8f: {  	(pc) =	sbr.rel .LBB2_2-.Ltmp3, $4  }
0x90: {  	s13 =	sand.u32 $0x7000, s11;
	s14 =	sand.u32 $0x380, s12  }
0x91: {  	s13 =	sor.u32 s14, s13  }
0x92: {  	s11 =	sadd.s32 $0x400, s11;
	s12 =	sadd.s32 $0x100, s12;
	s13 =	sor.u32 $0xC00, s13  }
0x93: {  	[tilespmem:s24], [sflag:$0x8] =	stream.indirect.gather [hbm4b:s3+s10], $0x1, s13, s10, $0xb8;
	[tilespmem:$0x4480] =	vst v63  }
.LBB2_5:
0x94: {  	_ =	sfence.sel $0x180000  }
0x95: {  	[bflag:$0x0] =	sbarrier.arrive $0xFFFF  }
0x96: {  	_ =	strace $0x90000047  }
0x97: {  	s0 =	stileid.u32;
	[bflag:$0x2] =	sbarrier.arrive $0xFFFF  }
0x98: {  	p0 =	sne.s32 s0, $0x0;
	s0 =	rddreg [dreg:$0x2]  }
0x99: {  	s0 =	sadd.s32 @!p0 $0x100000, s0  }
0x9a: {  	[sflag:s0] =	ssyncadd.tile.s32 @!p0 $0x1;
	_ =	shalt  }
.Lfunc_end2:
_tile_overlayer_lowered:
.L_overlay_start_2:
0x9b: {  	(tag) =	ssettag $0x2  }
0x9c: {  	s0 =	rddreg [dreg:$0x0];
	s2 =	stileid.u32  }
0x9d: {  	s1 =	rddreg [dreg:$0x1];
	p0 =	sne.s32 s2, $0x0  }
0x9e: {  	s3 =	rddreg [dreg:$0x2];
	[bflag:$0x3] =	sbarrier.arrive $0xFFFF;
	s2 =	simm.s32 @!p0 $0x1C09  }
0x9f: {  	[timem:s3], [sflag:s2] =	dma.local @!p0 [hbm:s0], s1  }
0xa0: {  	s0 =	simm.s32 @!p0 $0x9  }
0xa1: {  	_ =	swait.ge @!p0 [sflag:s0], s1  }
0xa2: {  	s1 =	ssub.s32 @!p0 $0x0, s1;
	[sflag:s0] =	ssyncset.done @!p0 $0x0  }
0xa3: {  	[sflag:s0] =	ssyncadd.s32 @!p0 s1  }
0xa4: {  	[bflag:$0x3] =	sbarrier.arrive $0xFFFF  }
0xa5: {  	_ =	shalt  }

</sc_bundles>
